<compile_context>
chip_gen: v7x
topology: tpu7x:2x2x1
jax: 0.10.2.dev20260603
libtpu: 0.0.44.dev20260713+nightly
codegen_flags: <defaults>
</compile_context>

<pallas_src>
import jax
import jax.numpy as jnp
from jax import lax
from jax.experimental import pallas as pl
from jax.experimental.pallas import tpu as pltpu
from jax.experimental.pallas import tpu_sc as plsc

N = 1048576
K = 32
L = 65536

NC = 2
NS = 16
NW = NC * NS

CL = 512
L_PER_W = L // NW
CHUNKS = L_PER_W // CL
TROWS = CL * K // 128
OUT_ROWS = L * K // 128
W_OUT_ROWS = L_PER_W * K // 128


def _body(xf, idxf, w, out_hbm, dummy_hbm,
          tbuf0, tbuf1, gidx0, gidx1, data0, data1, wv,
          sem_i, sem_x, sem_o0, sem_o1):
    c = lax.axis_index("c")
    s = lax.axis_index("s")
    wid = s * NC + c

    tbufs = (tbuf0, tbuf1)
    gidxs = (gidx0, gidx1)
    datas = (data0, data1)

    pltpu.sync_copy(w, wv)
    w_lo = wv[pl.ds(0, 16)]
    w_hi = wv[pl.ds(16, 16)]
    iota = lax.iota(jnp.int32, 16)
    iota_l = iota * L

    def write_pattern(chunk, tbuf):
        l0 = wid * L_PER_W + chunk * CL

        def body(r, carry):
            base = l0 + r * 4
            for v in range(8):
                tbuf[r, pl.ds(v * 16, 16)] = iota_l + (
                    (v % 2) * 16 * L + v // 2 + base)
            return carry

        lax.fori_loop(0, TROWS, body, 0)

    def fire_rows(src, idxbuf, dst, sem):
        def body(r, carry):
            pltpu.async_copy(src.at[idxbuf.at[r]], dst.at[r], sem)
            return carry

        lax.fori_loop(0, TROWS, body, 0)

    def scale(data):
        def body(r, carry):
            for v in range(8):
                wvec = w_lo if v % 2 == 0 else w_hi
                data[r, pl.ds(v * 16, 16)] = data[r, pl.ds(v * 16, 16)] * wvec
            return carry

        lax.fori_loop(0, TROWS, body, 0)

    write_pattern(0, tbufs[0])
    fire_rows(idxf, tbufs[0], gidxs[0], sem_i)
    for chunk in range(CHUNKS):
        p = chunk % 2
        if chunk + 1 < CHUNKS:
            write_pattern(chunk + 1, tbufs[1 - p])
        pltpu.make_async_copy(dummy_hbm, gidxs[p], sem_i).wait()
        fire_rows(xf, gidxs[p], datas[p], sem_x)
        if chunk + 1 < CHUNKS:
            fire_rows(idxf, tbufs[1 - p], gidxs[1 - p], sem_i)
        pltpu.make_async_copy(out_hbm.at[pl.ds(0, TROWS)], datas[p],
                              sem_x).wait()
        sem_o = sem_o0 if p == 0 else sem_o1
        if chunk >= 2:
            pltpu.make_async_copy(out_hbm.at[pl.ds(0, TROWS)], datas[p],
                                  sem_o).wait()
        scale(datas[p])
        pltpu.async_copy(
            datas[p],
            out_hbm.at[pl.ds(wid * W_OUT_ROWS + chunk * TROWS, TROWS)],
            sem_o)
    pltpu.make_async_copy(out_hbm.at[pl.ds(0, TROWS)], datas[0], sem_o0).wait()
    pltpu.make_async_copy(out_hbm.at[pl.ds(0, TROWS)], datas[1], sem_o1).wait()


def kernel(x, idx, weight):
    mesh = plsc.VectorSubcoreMesh(core_axis_name="c", subcore_axis_name="s")
    out2d, _ = pl.kernel(
        _body,
        out_type=(
            jax.ShapeDtypeStruct((OUT_ROWS, 128), jnp.float32),
            jax.ShapeDtypeStruct((TROWS, 128), jnp.int32),
        ),
        mesh=mesh,
        scratch_types=[
            pltpu.VMEM((TROWS, 128), jnp.int32),
            pltpu.VMEM((TROWS, 128), jnp.int32),
            pltpu.VMEM((TROWS, 128), jnp.int32),
            pltpu.VMEM((TROWS, 128), jnp.int32),
            pltpu.VMEM((TROWS, 128), jnp.float32),
            pltpu.VMEM((TROWS, 128), jnp.float32),
            pltpu.VMEM((K,), jnp.float32),
            pltpu.SemaphoreType.DMA,
            pltpu.SemaphoreType.DMA,
            pltpu.SemaphoreType.DMA,
            pltpu.SemaphoreType.DMA,
        ],
    )(x, idx.reshape(-1), weight)
    return out2d.reshape(-1)

# --- scband reference (transcript-rebuilt; emitter-appended) ---
"""Pipeline reference for scband-celltype-scale-layer-29162827940274 (READ-ONLY COPY).

The authoritative reference and input builder live on the scoring server;
editing this copy changes nothing except your own understanding.
"""

import jax, jax.numpy as jnp
import numpy as np

N = 1048576  # length of expression vector x
K = 32       # n_celltype
L = 65536    # indices per cell type


def setup_inputs(seed: int = 0) -> dict:
    key = jax.random.key(seed)
    k1, k2, k3 = jax.random.split(key, 3)
    x = jax.random.normal(k1, (N,), dtype=jnp.float32)
    # dHash['idx_feature_celltype']: one index vector of length L per cell type
    idx = jax.random.randint(k2, (K, L), 0, N, dtype=jnp.int32)
    # learned parameter: per-celltype scale, init ~ Normal(1.0, 0.1)
    weight = (1.0 + 0.1 * jax.random.normal(k3, (K,), dtype=jnp.float32))
    return {"x": x, "idx": idx, "weight": weight}


def reference(x, idx, weight):
    # Original torch loop:
    #   z = vstack_i( x[idx[i]] * weight[i] )  -> shape [K, L]
    #   return flatten(t(z))                   -> shape [L*K]
    # Vectorized faithful equivalent: gather then per-row scale.
    z = jnp.take(x, idx, axis=0) * weight[:, None]   # [K, L]
    return jnp.transpose(z).reshape(-1)              # [L*K]

if __name__ == "__main__":
    import jax
    _d = setup_inputs()
    print(jax.jit(kernel)(*tuple(_d.values())))

</pallas_src>

<mosaic_0001>
#map = affine_map<(d0, d1) -> (0)>
#map1 = affine_map<(d0, d1) -> (0, 0)>
module attributes {stable_mosaic.version = 14 : i64} {
  func.func @_body(%arg0: i32, %arg1: i32, %arg2: memref<1048576xf32, #tpu.memory_space<hbm>>, %arg3: memref<2097152xi32, #tpu.memory_space<hbm>>, %arg4: memref<32xf32, #tpu.memory_space<hbm>>, %arg5: memref<16384x128xf32, #tpu.memory_space<hbm>>, %arg6: memref<128x128xi32, #tpu.memory_space<hbm>>, %arg7: memref<128x128xi32, #tpu.memory_space<vmem>>, %arg8: memref<128x128xi32, #tpu.memory_space<vmem>>, %arg9: memref<128x128xi32, #tpu.memory_space<vmem>>, %arg10: memref<128x128xi32, #tpu.memory_space<vmem>>, %arg11: memref<128x128xf32, #tpu.memory_space<vmem>>, %arg12: memref<128x128xf32, #tpu.memory_space<vmem>>, %arg13: memref<32xf32, #tpu.memory_space<vmem>>, %arg14: memref<!tpu.dma_semaphore, #tpu.memory_space<semaphore_mem>>, %arg15: memref<!tpu.dma_semaphore, #tpu.memory_space<semaphore_mem>>, %arg16: memref<!tpu.dma_semaphore, #tpu.memory_space<semaphore_mem>>, %arg17: memref<!tpu.dma_semaphore, #tpu.memory_space<semaphore_mem>>) attributes {dimension_semantics = [#tpu.dimension_semantics<core_parallel>, #tpu.dimension_semantics<subcore_parallel>], iteration_bounds = array<i64: 2, 16>, scalar_prefetch = 0 : i64, scratch_operands = 11 : i64, tpu.core_type = #tpu.core_type<sc_vector_subcore>, window_params = [{transform_indices = #map}, {transform_indices = #map}, {transform_indices = #map}, {transform_indices = #map1}, {transform_indices = #map1}]} {
    %mul3A = arith.constant 2 : i32
    %mul3A_0 = arith.muli %arg1, %mul3A : i32
    %add3A = arith.addi %mul3A_0, %arg0 : i32
    "tpu.region"() ({
      %run_scoped3A = tpu.sem_alloc : memref<!tpu.dma_semaphore, #tpu.memory_space<semaphore_mem>>
      tpu.enqueue_dma source(%arg4 : memref<32xf32, #tpu.memory_space<hbm>>) target(%arg13 : memref<32xf32, #tpu.memory_space<vmem>>) target_semaphore(%run_scoped3A : memref<!tpu.dma_semaphore, #tpu.memory_space<semaphore_mem>>)
      tpu.wait_dma2 semaphore(%run_scoped3A : memref<!tpu.dma_semaphore, #tpu.memory_space<semaphore_mem>>) src(%arg4 : memref<32xf32, #tpu.memory_space<hbm>>) dst(%arg13 : memref<32xf32, #tpu.memory_space<vmem>>)
      tpu.yield
    }) : () -> ()
    %get3A = arith.constant 0 : index
    %get3A_1 = tpu.vector_load %arg13[%get3A] {strides = array<i32>} : memref<32xf32, #tpu.memory_space<vmem>>, vector<16xf32>,
    %get3A_2 = vector.shape_cast %get3A_1 : vector<16xf32> to vector<16xf32>
    %get3A_3 = arith.constant 16 : index
    %get3A_4 = tpu.vector_load %arg13[%get3A_3] {strides = array<i32>} : memref<32xf32, #tpu.memory_space<vmem>>, vector<16xf32>,
    %get3A_5 = vector.shape_cast %get3A_4 : vector<16xf32> to vector<16xf32>
    %iota3A = tpu.iota {dimensions = array<i32: 0>} : vector<16xi32>
    %mul3A_6 = arith.constant 65536 : i32
    %mul3A_7 = vector.broadcast %mul3A_6 : i32 to vector<16xi32>
    %mul3A_8 = arith.muli %iota3A, %mul3A_7 : vector<16xi32>
    %mul3A_9 = arith.constant 2048 : i32
    %mul3A_10 = arith.muli %add3A, %mul3A_9 : i32
    %add3A_11 = arith.constant 0 : i32
    %add3A_12 = arith.addi %mul3A_10, %add3A_11 : i32
    %scan3A = arith.constant 0 : i32
    %scan3A_13 = arith.constant 0 : i32
    %scan3A_14 = arith.constant 128 : i32
    %scan3A_15 = arith.addi %scan3A_13, %scan3A_14 : i32
    %scan3A_16 = arith.constant 1 : i32
    scf.for %scan3A_198 = %scan3A_13 to %scan3A_15 step %scan3A_16  : i32 {
      %mul3A_199 = arith.constant 4 : i32
      %mul3A_200 = arith.muli %scan3A_198, %mul3A_199 : i32
      %add3A_201 = arith.addi %add3A_12, %mul3A_200 : i32
      %add3A_202 = arith.constant 0 : i32
      %add3A_203 = arith.addi %add3A_202, %add3A_201 : i32
      %add3A_204 = vector.broadcast %add3A_203 : i32 to vector<16xi32>
      %add3A_205 = arith.addi %mul3A_8, %add3A_204 : vector<16xi32>
      %swap3A = arith.index_cast %scan3A_198 : i32 to index
      %swap3A_206 = arith.constant 0 : index
      %swap3A_207 = tpu.vector_load %arg7[%swap3A, %swap3A_206] {strides = array<i32>} : memref<128x128xi32, #tpu.memory_space<vmem>>, vector<1x16xi32>,
      %swap3A_208 = vector.shape_cast %swap3A_207 : vector<1x16xi32> to vector<16xi32>
      %swap3A_209 = vector.shape_cast %add3A_205 : vector<16xi32> to vector<1x16xi32>
      tpu.vector_store %arg7[%swap3A, %swap3A_206], %swap3A_209 {strides = array<i32>} : memref<128x128xi32, #tpu.memory_space<vmem>>, vector<1x16xi32>,
      %add3A_210 = arith.constant 1048576 : i32
      %add3A_211 = arith.addi %add3A_210, %add3A_201 : i32
      %add3A_212 = vector.broadcast %add3A_211 : i32 to vector<16xi32>
      %add3A_213 = arith.addi %mul3A_8, %add3A_212 : vector<16xi32>
      %swap3A_214 = arith.index_cast %scan3A_198 : i32 to index
      %swap3A_215 = arith.constant 16 : index
      %swap3A_216 = tpu.vector_load %arg7[%swap3A_214, %swap3A_215] {strides = array<i32>} : memref<128x128xi32, #tpu.memory_space<vmem>>, vector<1x16xi32>,
      %swap3A_217 = vector.shape_cast %swap3A_216 : vector<1x16xi32> to vector<16xi32>
      %swap3A_218 = vector.shape_cast %add3A_213 : vector<16xi32> to vector<1x16xi32>
      tpu.vector_store %arg7[%swap3A_214, %swap3A_215], %swap3A_218 {strides = array<i32>} : memref<128x128xi32, #tpu.memory_space<vmem>>, vector<1x16xi32>,
      %add3A_219 = arith.constant 1 : i32
      %add3A_220 = arith.addi %add3A_219, %add3A_201 : i32
      %add3A_221 = vector.broadcast %add3A_220 : i32 to vector<16xi32>
      %add3A_222 = arith.addi %mul3A_8, %add3A_221 : vector<16xi32>
      %swap3A_223 = arith.index_cast %scan3A_198 : i32 to index
      %swap3A_224 = arith.constant 32 : index
      %swap3A_225 = tpu.vector_load %arg7[%swap3A_223, %swap3A_224] {strides = array<i32>} : memref<128x128xi32, #tpu.memory_space<vmem>>, vector<1x16xi32>,
      %swap3A_226 = vector.shape_cast %swap3A_225 : vector<1x16xi32> to vector<16xi32>
      %swap3A_227 = vector.shape_cast %add3A_222 : vector<16xi32> to vector<1x16xi32>
      tpu.vector_store %arg7[%swap3A_223, %swap3A_224], %swap3A_227 {strides = array<i32>} : memref<128x128xi32, #tpu.memory_space<vmem>>, vector<1x16xi32>,
      %add3A_228 = arith.constant 1048577 : i32
      %add3A_229 = arith.addi %add3A_228, %add3A_201 : i32
      %add3A_230 = vector.broadcast %add3A_229 : i32 to vector<16xi32>
      %add3A_231 = arith.addi %mul3A_8, %add3A_230 : vector<16xi32>
      %swap3A_232 = arith.index_cast %scan3A_198 : i32 to index
      %swap3A_233 = arith.constant 48 : index
      %swap3A_234 = tpu.vector_load %arg7[%swap3A_232, %swap3A_233] {strides = array<i32>} : memref<128x128xi32, #tpu.memory_space<vmem>>, vector<1x16xi32>,
      %swap3A_235 = vector.shape_cast %swap3A_234 : vector<1x16xi32> to vector<16xi32>
      %swap3A_236 = vector.shape_cast %add3A_231 : vector<16xi32> to vector<1x16xi32>
      tpu.vector_store %arg7[%swap3A_232, %swap3A_233], %swap3A_236 {strides = array<i32>} : memref<128x128xi32, #tpu.memory_space<vmem>>, vector<1x16xi32>,
      %add3A_237 = arith.constant 2 : i32
      %add3A_238 = arith.addi %add3A_237, %add3A_201 : i32
      %add3A_239 = vector.broadcast %add3A_238 : i32 to vector<16xi32>
      %add3A_240 = arith.addi %mul3A_8, %add3A_239 : vector<16xi32>
      %swap3A_241 = arith.index_cast %scan3A_198 : i32 to index
      %swap3A_242 = arith.constant 64 : index
      %swap3A_243 = tpu.vector_load %arg7[%swap3A_241, %swap3A_242] {strides = array<i32>} : memref<128x128xi32, #tpu.memory_space<vmem>>, vector<1x16xi32>,
      %swap3A_244 = vector.shape_cast %swap3A_243 : vector<1x16xi32> to vector<16xi32>
      %swap3A_245 = vector.shape_cast %add3A_240 : vector<16xi32> to vector<1x16xi32>
      tpu.vector_store %arg7[%swap3A_241, %swap3A_242], %swap3A_245 {strides = array<i32>} : memref<128x128xi32, #tpu.memory_space<vmem>>, vector<1x16xi32>,
      %add3A_246 = arith.constant 1048578 : i32
      %add3A_247 = arith.addi %add3A_246, %add3A_201 : i32
      %add3A_248 = vector.broadcast %add3A_247 : i32 to vector<16xi32>
      %add3A_249 = arith.addi %mul3A_8, %add3A_248 : vector<16xi32>
      %swap3A_250 = arith.index_cast %scan3A_198 : i32 to index
      %swap3A_251 = arith.constant 80 : index
      %swap3A_252 = tpu.vector_load %arg7[%swap3A_250, %swap3A_251] {strides = array<i32>} : memref<128x128xi32, #tpu.memory_space<vmem>>, vector<1x16xi32>,
      %swap3A_253 = vector.shape_cast %swap3A_252 : vector<1x16xi32> to vector<16xi32>
      %swap3A_254 = vector.shape_cast %add3A_249 : vector<16xi32> to vector<1x16xi32>
      tpu.vector_store %arg7[%swap3A_250, %swap3A_251], %swap3A_254 {strides = array<i32>} : memref<128x128xi32, #tpu.memory_space<vmem>>, vector<1x16xi32>,
      %add3A_255 = arith.constant 3 : i32
      %add3A_256 = arith.addi %add3A_255, %add3A_201 : i32
      %add3A_257 = vector.broadcast %add3A_256 : i32 to vector<16xi32>
      %add3A_258 = arith.addi %mul3A_8, %add3A_257 : vector<16xi32>
      %swap3A_259 = arith.index_cast %scan3A_198 : i32 to index
      %swap3A_260 = arith.constant 96 : index
      %swap3A_261 = tpu.vector_load %arg7[%swap3A_259, %swap3A_260] {strides = array<i32>} : memref<128x128xi32, #tpu.memory_space<vmem>>, vector<1x16xi32>,
      %swap3A_262 = vector.shape_cast %swap3A_261 : vector<1x16xi32> to vector<16xi32>
      %swap3A_263 = vector.shape_cast %add3A_258 : vector<16xi32> to vector<1x16xi32>
      tpu.vector_store %arg7[%swap3A_259, %swap3A_260], %swap3A_263 {strides = array<i32>} : memref<128x128xi32, #tpu.memory_space<vmem>>, vector<1x16xi32>,
      %add3A_264 = arith.constant 1048579 : i32
      %add3A_265 = arith.addi %add3A_264, %add3A_201 : i32
      %add3A_266 = vector.broadcast %add3A_265 : i32 to vector<16xi32>
      %add3A_267 = arith.addi %mul3A_8, %add3A_266 : vector<16xi32>
      %swap3A_268 = arith.index_cast %scan3A_198 : i32 to index
      %swap3A_269 = arith.constant 112 : index
      %swap3A_270 = tpu.vector_load %arg7[%swap3A_268, %swap3A_269] {strides = array<i32>} : memref<128x128xi32, #tpu.memory_space<vmem>>, vector<1x16xi32>,
      %swap3A_271 = vector.shape_cast %swap3A_270 : vector<1x16xi32> to vector<16xi32>
      %swap3A_272 = vector.shape_cast %add3A_267 : vector<16xi32> to vector<1x16xi32>
      tpu.vector_store %arg7[%swap3A_268, %swap3A_269], %swap3A_272 {strides = array<i32>} : memref<128x128xi32, #tpu.memory_space<vmem>>, vector<1x16xi32>,
    }
    %scan3A_17 = arith.constant 128 : i32
    %scan3A_18 = arith.constant 0 : i32
    %scan3A_19 = arith.constant 0 : i32
    %scan3A_20 = arith.constant 128 : i32
    %scan3A_21 = arith.addi %scan3A_19, %scan3A_20 : i32
    %scan3A_22 = arith.constant 1 : i32
    scf.for %scan3A_198 = %scan3A_19 to %scan3A_21 step %scan3A_22  : i32 {
      %dma_start3A_199 = arith.constant 0 : i32
      %dma_start3A_200 = tpu.memref_slice %arg9[%scan3A_198, %dma_start3A_199] : memref<128x128xi32, #tpu.memory_space<vmem>> -> memref<1x128xi32, #tpu.memory_space<vmem>>
      %dma_start3A_201 = tpu.memref_squeeze %dma_start3A_200 : memref<1x128xi32, #tpu.memory_space<vmem>> -> memref<128xi32, #tpu.memory_space<vmem>>
      %dma_start3A_202 = arith.constant 0 : i32
      %dma_start3A_203 = tpu.memref_slice %arg7[%scan3A_198, %dma_start3A_202] : memref<128x128xi32, #tpu.memory_space<vmem>> -> memref<1x128xi32, #tpu.memory_space<vmem>>
      %dma_start3A_204 = tpu.memref_squeeze %dma_start3A_203 : memref<1x128xi32, #tpu.memory_space<vmem>> -> memref<128xi32, #tpu.memory_space<vmem>>
      %dma_start3A_205 = arith.constant 0 : i32
      %dma_start3A_206 = tpu.memref_slice %arg3[%dma_start3A_205] : memref<2097152xi32, #tpu.memory_space<hbm>> -> memref<2097152xi32, #tpu.memory_space<hbm>>
      tpu.enqueue_indirect_dma source(%dma_start3A_206 : memref<2097152xi32, #tpu.memory_space<hbm>>) target(%dma_start3A_201 : memref<128xi32, #tpu.memory_space<vmem>>) offsets(%dma_start3A_204 : memref<128xi32, #tpu.memory_space<vmem>>) semaphore(%arg14 : memref<!tpu.dma_semaphore, #tpu.memory_space<semaphore_mem>>)
    }
    %scan3A_23 = arith.constant 128 : i32
    %mul3A_24 = arith.constant 2048 : i32
    %mul3A_25 = arith.muli %add3A, %mul3A_24 : i32
    %add3A_26 = arith.constant 512 : i32
    %add3A_27 = arith.addi %mul3A_25, %add3A_26 : i32
    %scan3A_28 = arith.constant 0 : i32
    %scan3A_29 = arith.constant 0 : i32
    %scan3A_30 = arith.constant 128 : i32
    %scan3A_31 = arith.addi %scan3A_29, %scan3A_30 : i32
    %scan3A_32 = arith.constant 1 : i32
    scf.for %scan3A_198 = %scan3A_29 to %scan3A_31 step %scan3A_32  : i32 {
      %mul3A_199 = arith.constant 4 : i32
      %mul3A_200 = arith.muli %scan3A_198, %mul3A_199 : i32
      %add3A_201 = arith.addi %add3A_27, %mul3A_200 : i32
      %add3A_202 = arith.constant 0 : i32
      %add3A_203 = arith.addi %add3A_202, %add3A_201 : i32
      %add3A_204 = vector.broadcast %add3A_203 : i32 to vector<16xi32>
      %add3A_205 = arith.addi %mul3A_8, %add3A_204 : vector<16xi32>
      %swap3A = arith.index_cast %scan3A_198 : i32 to index
      %swap3A_206 = arith.constant 0 : index
      %swap3A_207 = tpu.vector_load %arg8[%swap3A, %swap3A_206] {strides = array<i32>} : memref<128x128xi32, #tpu.memory_space<vmem>>, vector<1x16xi32>,
      %swap3A_208 = vector.shape_cast %swap3A_207 : vector<1x16xi32> to vector<16xi32>
      %swap3A_209 = vector.shape_cast %add3A_205 : vector<16xi32> to vector<1x16xi32>
      tpu.vector_store %arg8[%swap3A, %swap3A_206], %swap3A_209 {strides = array<i32>} : memref<128x128xi32, #tpu.memory_space<vmem>>, vector<1x16xi32>,
      %add3A_210 = arith.constant 1048576 : i32
      %add3A_211 = arith.addi %add3A_210, %add3A_201 : i32
      %add3A_212 = vector.broadcast %add3A_211 : i32 to vector<16xi32>
      %add3A_213 = arith.addi %mul3A_8, %add3A_212 : vector<16xi32>
      %swap3A_214 = arith.index_cast %scan3A_198 : i32 to index
      %swap3A_215 = arith.constant 16 : index
      %swap3A_216 = tpu.vector_load %arg8[%swap3A_214, %swap3A_215] {strides = array<i32>} : memref<128x128xi32, #tpu.memory_space<vmem>>, vector<1x16xi32>,
      %swap3A_217 = vector.shape_cast %swap3A_216 : vector<1x16xi32> to vector<16xi32>
      %swap3A_218 = vector.shape_cast %add3A_213 : vector<16xi32> to vector<1x16xi32>
      tpu.vector_store %arg8[%swap3A_214, %swap3A_215], %swap3A_218 {strides = array<i32>} : memref<128x128xi32, #tpu.memory_space<vmem>>, vector<1x16xi32>,
      %add3A_219 = arith.constant 1 : i32
      %add3A_220 = arith.addi %add3A_219, %add3A_201 : i32
      %add3A_221 = vector.broadcast %add3A_220 : i32 to vector<16xi32>
      %add3A_222 = arith.addi %mul3A_8, %add3A_221 : vector<16xi32>
      %swap3A_223 = arith.index_cast %scan3A_198 : i32 to index
      %swap3A_224 = arith.constant 32 : index
      %swap3A_225 = tpu.vector_load %arg8[%swap3A_223, %swap3A_224] {strides = array<i32>} : memref<128x128xi32, #tpu.memory_space<vmem>>, vector<1x16xi32>,
      %swap3A_226 = vector.shape_cast %swap3A_225 : vector<1x16xi32> to vector<16xi32>
      %swap3A_227 = vector.shape_cast %add3A_222 : vector<16xi32> to vector<1x16xi32>
      tpu.vector_store %arg8[%swap3A_223, %swap3A_224], %swap3A_227 {strides = array<i32>} : memref<128x128xi32, #tpu.memory_space<vmem>>, vector<1x16xi32>,
      %add3A_228 = arith.constant 1048577 : i32
      %add3A_229 = arith.addi %add3A_228, %add3A_201 : i32
      %add3A_230 = vector.broadcast %add3A_229 : i32 to vector<16xi32>
      %add3A_231 = arith.addi %mul3A_8, %add3A_230 : vector<16xi32>
      %swap3A_232 = arith.index_cast %scan3A_198 : i32 to index
      %swap3A_233 = arith.constant 48 : index
      %swap3A_234 = tpu.vector_load %arg8[%swap3A_232, %swap3A_233] {strides = array<i32>} : memref<128x128xi32, #tpu.memory_space<vmem>>, vector<1x16xi32>,
      %swap3A_235 = vector.shape_cast %swap3A_234 : vector<1x16xi32> to vector<16xi32>
      %swap3A_236 = vector.shape_cast %add3A_231 : vector<16xi32> to vector<1x16xi32>
      tpu.vector_store %arg8[%swap3A_232, %swap3A_233], %swap3A_236 {strides = array<i32>} : memref<128x128xi32, #tpu.memory_space<vmem>>, vector<1x16xi32>,
      %add3A_237 = arith.constant 2 : i32
      %add3A_238 = arith.addi %add3A_237, %add3A_201 : i32
      %add3A_239 = vector.broadcast %add3A_238 : i32 to vector<16xi32>
      %add3A_240 = arith.addi %mul3A_8, %add3A_239 : vector<16xi32>
      %swap3A_241 = arith.index_cast %scan3A_198 : i32 to index
      %swap3A_242 = arith.constant 64 : index
      %swap3A_243 = tpu.vector_load %arg8[%swap3A_241, %swap3A_242] {strides = array<i32>} : memref<128x128xi32, #tpu.memory_space<vmem>>, vector<1x16xi32>,
      %swap3A_244 = vector.shape_cast %swap3A_243 : vector<1x16xi32> to vector<16xi32>
      %swap3A_245 = vector.shape_cast %add3A_240 : vector<16xi32> to vector<1x16xi32>
      tpu.vector_store %arg8[%swap3A_241, %swap3A_242], %swap3A_245 {strides = array<i32>} : memref<128x128xi32, #tpu.memory_space<vmem>>, vector<1x16xi32>,
      %add3A_246 = arith.constant 1048578 : i32
      %add3A_247 = arith.addi %add3A_246, %add3A_201 : i32
      %add3A_248 = vector.broadcast %add3A_247 : i32 to vector<16xi32>
      %add3A_249 = arith.addi %mul3A_8, %add3A_248 : vector<16xi32>
      %swap3A_250 = arith.index_cast %scan3A_198 : i32 to index
      %swap3A_251 = arith.constant 80 : index
      %swap3A_252 = tpu.vector_load %arg8[%swap3A_250, %swap3A_251] {strides = array<i32>} : memref<128x128xi32, #tpu.memory_space<vmem>>, vector<1x16xi32>,
      %swap3A_253 = vector.shape_cast %swap3A_252 : vector<1x16xi32> to vector<16xi32>
      %swap3A_254 = vector.shape_cast %add3A_249 : vector<16xi32> to vector<1x16xi32>
      tpu.vector_store %arg8[%swap3A_250, %swap3A_251], %swap3A_254 {strides = array<i32>} : memref<128x128xi32, #tpu.memory_space<vmem>>, vector<1x16xi32>,
      %add3A_255 = arith.constant 3 : i32
      %add3A_256 = arith.addi %add3A_255, %add3A_201 : i32
      %add3A_257 = vector.broadcast %add3A_256 : i32 to vector<16xi32>
      %add3A_258 = arith.addi %mul3A_8, %add3A_257 : vector<16xi32>
      %swap3A_259 = arith.index_cast %scan3A_198 : i32 to index
      %swap3A_260 = arith.constant 96 : index
      %swap3A_261 = tpu.vector_load %arg8[%swap3A_259, %swap3A_260] {strides = array<i32>} : memref<128x128xi32, #tpu.memory_space<vmem>>, vector<1x16xi32>,
      %swap3A_262 = vector.shape_cast %swap3A_261 : vector<1x16xi32> to vector<16xi32>
      %swap3A_263 = vector.shape_cast %add3A_258 : vector<16xi32> to vector<1x16xi32>
      tpu.vector_store %arg8[%swap3A_259, %swap3A_260], %swap3A_263 {strides = array<i32>} : memref<128x128xi32, #tpu.memory_space<vmem>>, vector<1x16xi32>,
      %add3A_264 = arith.constant 1048579 : i32
      %add3A_265 = arith.addi %add3A_264, %add3A_201 : i32
      %add3A_266 = vector.broadcast %add3A_265 : i32 to vector<16xi32>
      %add3A_267 = arith.addi %mul3A_8, %add3A_266 : vector<16xi32>
      %swap3A_268 = arith.index_cast %scan3A_198 : i32 to index
      %swap3A_269 = arith.constant 112 : index
      %swap3A_270 = tpu.vector_load %arg8[%swap3A_268, %swap3A_269] {strides = array<i32>} : memref<128x128xi32, #tpu.memory_space<vmem>>, vector<1x16xi32>,
      %swap3A_271 = vector.shape_cast %swap3A_270 : vector<1x16xi32> to vector<16xi32>
      %swap3A_272 = vector.shape_cast %add3A_267 : vector<16xi32> to vector<1x16xi32>
      tpu.vector_store %arg8[%swap3A_268, %swap3A_269], %swap3A_272 {strides = array<i32>} : memref<128x128xi32, #tpu.memory_space<vmem>>, vector<1x16xi32>,
    }
    %scan3A_33 = arith.constant 128 : i32
    tpu.wait_dma2 semaphore(%arg14 : memref<!tpu.dma_semaphore, #tpu.memory_space<semaphore_mem>>) src(%arg6 : memref<128x128xi32, #tpu.memory_space<hbm>>) dst(%arg9 : memref<128x128xi32, #tpu.memory_space<vmem>>)
    %scan3A_34 = arith.constant 0 : i32
    %scan3A_35 = arith.constant 0 : i32
    %scan3A_36 = arith.constant 128 : i32
    %scan3A_37 = arith.addi %scan3A_35, %scan3A_36 : i32
    %scan3A_38 = arith.constant 1 : i32
    scf.for %scan3A_198 = %scan3A_35 to %scan3A_37 step %scan3A_38  : i32 {
      %dma_start3A_199 = arith.constant 0 : i32
      %dma_start3A_200 = tpu.memref_slice %arg11[%scan3A_198, %dma_start3A_199] : memref<128x128xf32, #tpu.memory_space<vmem>> -> memref<1x128xf32, #tpu.memory_space<vmem>>
      %dma_start3A_201 = tpu.memref_squeeze %dma_start3A_200 : memref<1x128xf32, #tpu.memory_space<vmem>> -> memref<128xf32, #tpu.memory_space<vmem>>
      %dma_start3A_202 = arith.constant 0 : i32
      %dma_start3A_203 = tpu.memref_slice %arg9[%scan3A_198, %dma_start3A_202] : memref<128x128xi32, #tpu.memory_space<vmem>> -> memref<1x128xi32, #tpu.memory_space<vmem>>
      %dma_start3A_204 = tpu.memref_squeeze %dma_start3A_203 : memref<1x128xi32, #tpu.memory_space<vmem>> -> memref<128xi32, #tpu.memory_space<vmem>>
      %dma_start3A_205 = arith.constant 0 : i32
      %dma_start3A_206 = tpu.memref_slice %arg2[%dma_start3A_205] : memref<1048576xf32, #tpu.memory_space<hbm>> -> memref<1048576xf32, #tpu.memory_space<hbm>>
      tpu.enqueue_indirect_dma source(%dma_start3A_206 : memref<1048576xf32, #tpu.memory_space<hbm>>) target(%dma_start3A_201 : memref<128xf32, #tpu.memory_space<vmem>>) offsets(%dma_start3A_204 : memref<128xi32, #tpu.memory_space<vmem>>) semaphore(%arg15 : memref<!tpu.dma_semaphore, #tpu.memory_space<semaphore_mem>>)
    }
    %scan3A_39 = arith.constant 128 : i32
    %scan3A_40 = arith.constant 0 : i32
    %scan3A_41 = arith.constant 0 : i32
    %scan3A_42 = arith.constant 128 : i32
    %scan3A_43 = arith.addi %scan3A_41, %scan3A_42 : i32
    %scan3A_44 = arith.constant 1 : i32
    scf.for %scan3A_198 = %scan3A_41 to %scan3A_43 step %scan3A_44  : i32 {
      %dma_start3A_199 = arith.constant 0 : i32
      %dma_start3A_200 = tpu.memref_slice %arg10[%scan3A_198, %dma_start3A_199] : memref<128x128xi32, #tpu.memory_space<vmem>> -> memref<1x128xi32, #tpu.memory_space<vmem>>
      %dma_start3A_201 = tpu.memref_squeeze %dma_start3A_200 : memref<1x128xi32, #tpu.memory_space<vmem>> -> memref<128xi32, #tpu.memory_space<vmem>>
      %dma_start3A_202 = arith.constant 0 : i32
      %dma_start3A_203 = tpu.memref_slice %arg8[%scan3A_198, %dma_start3A_202] : memref<128x128xi32, #tpu.memory_space<vmem>> -> memref<1x128xi32, #tpu.memory_space<vmem>>
      %dma_start3A_204 = tpu.memref_squeeze %dma_start3A_203 : memref<1x128xi32, #tpu.memory_space<vmem>> -> memref<128xi32, #tpu.memory_space<vmem>>
      %dma_start3A_205 = arith.constant 0 : i32
      %dma_start3A_206 = tpu.memref_slice %arg3[%dma_start3A_205] : memref<2097152xi32, #tpu.memory_space<hbm>> -> memref<2097152xi32, #tpu.memory_space<hbm>>
      tpu.enqueue_indirect_dma source(%dma_start3A_206 : memref<2097152xi32, #tpu.memory_space<hbm>>) target(%dma_start3A_201 : memref<128xi32, #tpu.memory_space<vmem>>) offsets(%dma_start3A_204 : memref<128xi32, #tpu.memory_space<vmem>>) semaphore(%arg14 : memref<!tpu.dma_semaphore, #tpu.memory_space<semaphore_mem>>)
    }
    %scan3A_45 = arith.constant 128 : i32
    %dma_wait3A = arith.constant 0 : i32
    %dma_wait3A_46 = arith.constant 0 : i32
    %dma_wait3A_47 = tpu.memref_slice %arg5[%dma_wait3A, %dma_wait3A_46] : memref<16384x128xf32, #tpu.memory_space<hbm>> -> memref<128x128xf32, #tpu.memory_space<hbm>>
    %dma_wait3A_48 = arith.constant 0 : i32
    %dma_wait3A_49 = arith.constant 0 : i32
    %dma_wait3A_50 = tpu.memref_slice %arg5[%dma_wait3A_48, %dma_wait3A_49] : memref<16384x128xf32, #tpu.memory_space<hbm>> -> memref<128x128xf32, #tpu.memory_space<hbm>>
    tpu.wait_dma2 semaphore(%arg15 : memref<!tpu.dma_semaphore, #tpu.memory_space<semaphore_mem>>) src(%dma_wait3A_50 : memref<128x128xf32, #tpu.memory_space<hbm>>) dst(%arg11 : memref<128x128xf32, #tpu.memory_space<vmem>>)
    %scan3A_51 = arith.constant 0 : i32
    %scan3A_52 = arith.constant 0 : i32
    %scan3A_53 = arith.constant 128 : i32
    %scan3A_54 = arith.addi %scan3A_52, %scan3A_53 : i32
    %scan3A_55 = arith.constant 1 : i32
    scf.for %scan3A_198 = %scan3A_52 to %scan3A_54 step %scan3A_55  : i32 {
      %get3A_199 = arith.index_cast %scan3A_198 : i32 to index
      %get3A_200 = arith.constant 0 : index
      %get3A_201 = tpu.vector_load %arg11[%get3A_199, %get3A_200] {strides = array<i32>} : memref<128x128xf32, #tpu.memory_space<vmem>>, vector<1x16xf32>,
      %get3A_202 = vector.shape_cast %get3A_201 : vector<1x16xf32> to vector<16xf32>
      %mul3A_203 = arith.mulf %get3A_202, %get3A_2 : vector<16xf32>
      %swap3A = arith.index_cast %scan3A_198 : i32 to index
      %swap3A_204 = arith.constant 0 : index
      %swap3A_205 = tpu.vector_load %arg11[%swap3A, %swap3A_204] {strides = array<i32>} : memref<128x128xf32, #tpu.memory_space<vmem>>, vector<1x16xf32>,
      %swap3A_206 = vector.shape_cast %swap3A_205 : vector<1x16xf32> to vector<16xf32>
      %swap3A_207 = vector.shape_cast %mul3A_203 : vector<16xf32> to vector<1x16xf32>
      tpu.vector_store %arg11[%swap3A, %swap3A_204], %swap3A_207 {strides = array<i32>} : memref<128x128xf32, #tpu.memory_space<vmem>>, vector<1x16xf32>,
      %get3A_208 = arith.index_cast %scan3A_198 : i32 to index
      %get3A_209 = arith.constant 16 : index
      %get3A_210 = tpu.vector_load %arg11[%get3A_208, %get3A_209] {strides = array<i32>} : memref<128x128xf32, #tpu.memory_space<vmem>>, vector<1x16xf32>,
      %get3A_211 = vector.shape_cast %get3A_210 : vector<1x16xf32> to vector<16xf32>
      %mul3A_212 = arith.mulf %get3A_211, %get3A_5 : vector<16xf32>
      %swap3A_213 = arith.index_cast %scan3A_198 : i32 to index
      %swap3A_214 = arith.constant 16 : index
      %swap3A_215 = tpu.vector_load %arg11[%swap3A_213, %swap3A_214] {strides = array<i32>} : memref<128x128xf32, #tpu.memory_space<vmem>>, vector<1x16xf32>,
      %swap3A_216 = vector.shape_cast %swap3A_215 : vector<1x16xf32> to vector<16xf32>
      %swap3A_217 = vector.shape_cast %mul3A_212 : vector<16xf32> to vector<1x16xf32>
      tpu.vector_store %arg11[%swap3A_213, %swap3A_214], %swap3A_217 {strides = array<i32>} : memref<128x128xf32, #tpu.memory_space<vmem>>, vector<1x16xf32>,
      %get3A_218 = arith.index_cast %scan3A_198 : i32 to index
      %get3A_219 = arith.constant 32 : index
      %get3A_220 = tpu.vector_load %arg11[%get3A_218, %get3A_219] {strides = array<i32>} : memref<128x128xf32, #tpu.memory_space<vmem>>, vector<1x16xf32>,
      %get3A_221 = vector.shape_cast %get3A_220 : vector<1x16xf32> to vector<16xf32>
      %mul3A_222 = arith.mulf %get3A_221, %get3A_2 : vector<16xf32>
      %swap3A_223 = arith.index_cast %scan3A_198 : i32 to index
      %swap3A_224 = arith.constant 32 : index
      %swap3A_225 = tpu.vector_load %arg11[%swap3A_223, %swap3A_224] {strides = array<i32>} : memref<128x128xf32, #tpu.memory_space<vmem>>, vector<1x16xf32>,
      %swap3A_226 = vector.shape_cast %swap3A_225 : vector<1x16xf32> to vector<16xf32>
      %swap3A_227 = vector.shape_cast %mul3A_222 : vector<16xf32> to vector<1x16xf32>
      tpu.vector_store %arg11[%swap3A_223, %swap3A_224], %swap3A_227 {strides = array<i32>} : memref<128x128xf32, #tpu.memory_space<vmem>>, vector<1x16xf32>,
      %get3A_228 = arith.index_cast %scan3A_198 : i32 to index
      %get3A_229 = arith.constant 48 : index
      %get3A_230 = tpu.vector_load %arg11[%get3A_228, %get3A_229] {strides = array<i32>} : memref<128x128xf32, #tpu.memory_space<vmem>>, vector<1x16xf32>,
      %get3A_231 = vector.shape_cast %get3A_230 : vector<1x16xf32> to vector<16xf32>
      %mul3A_232 = arith.mulf %get3A_231, %get3A_5 : vector<16xf32>
      %swap3A_233 = arith.index_cast %scan3A_198 : i32 to index
      %swap3A_234 = arith.constant 48 : index
      %swap3A_235 = tpu.vector_load %arg11[%swap3A_233, %swap3A_234] {strides = array<i32>} : memref<128x128xf32, #tpu.memory_space<vmem>>, vector<1x16xf32>,
      %swap3A_236 = vector.shape_cast %swap3A_235 : vector<1x16xf32> to vector<16xf32>
      %swap3A_237 = vector.shape_cast %mul3A_232 : vector<16xf32> to vector<1x16xf32>
      tpu.vector_store %arg11[%swap3A_233, %swap3A_234], %swap3A_237 {strides = array<i32>} : memref<128x128xf32, #tpu.memory_space<vmem>>, vector<1x16xf32>,
      %get3A_238 = arith.index_cast %scan3A_198 : i32 to index
      %get3A_239 = arith.constant 64 : index
      %get3A_240 = tpu.vector_load %arg11[%get3A_238, %get3A_239] {strides = array<i32>} : memref<128x128xf32, #tpu.memory_space<vmem>>, vector<1x16xf32>,
      %get3A_241 = vector.shape_cast %get3A_240 : vector<1x16xf32> to vector<16xf32>
      %mul3A_242 = arith.mulf %get3A_241, %get3A_2 : vector<16xf32>
      %swap3A_243 = arith.index_cast %scan3A_198 : i32 to index
      %swap3A_244 = arith.constant 64 : index
      %swap3A_245 = tpu.vector_load %arg11[%swap3A_243, %swap3A_244] {strides = array<i32>} : memref<128x128xf32, #tpu.memory_space<vmem>>, vector<1x16xf32>,
      %swap3A_246 = vector.shape_cast %swap3A_245 : vector<1x16xf32> to vector<16xf32>
      %swap3A_247 = vector.shape_cast %mul3A_242 : vector<16xf32> to vector<1x16xf32>
      tpu.vector_store %arg11[%swap3A_243, %swap3A_244], %swap3A_247 {strides = array<i32>} : memref<128x128xf32, #tpu.memory_space<vmem>>, vector<1x16xf32>,
      %get3A_248 = arith.index_cast %scan3A_198 : i32 to index
      %get3A_249 = arith.constant 80 : index
      %get3A_250 = tpu.vector_load %arg11[%get3A_248, %get3A_249] {strides = array<i32>} : memref<128x128xf32, #tpu.memory_space<vmem>>, vector<1x16xf32>,
      %get3A_251 = vector.shape_cast %get3A_250 : vector<1x16xf32> to vector<16xf32>
      %mul3A_252 = arith.mulf %get3A_251, %get3A_5 : vector<16xf32>
      %swap3A_253 = arith.index_cast %scan3A_198 : i32 to index
      %swap3A_254 = arith.constant 80 : index
      %swap3A_255 = tpu.vector_load %arg11[%swap3A_253, %swap3A_254] {strides = array<i32>} : memref<128x128xf32, #tpu.memory_space<vmem>>, vector<1x16xf32>,
      %swap3A_256 = vector.shape_cast %swap3A_255 : vector<1x16xf32> to vector<16xf32>
      %swap3A_257 = vector.shape_cast %mul3A_252 : vector<16xf32> to vector<1x16xf32>
      tpu.vector_store %arg11[%swap3A_253, %swap3A_254], %swap3A_257 {strides = array<i32>} : memref<128x128xf32, #tpu.memory_space<vmem>>, vector<1x16xf32>,
      %get3A_258 = arith.index_cast %scan3A_198 : i32 to index
      %get3A_259 = arith.constant 96 : index
      %get3A_260 = tpu.vector_load %arg11[%get3A_258, %get3A_259] {strides = array<i32>} : memref<128x128xf32, #tpu.memory_space<vmem>>, vector<1x16xf32>,
      %get3A_261 = vector.shape_cast %get3A_260 : vector<1x16xf32> to vector<16xf32>
      %mul3A_262 = arith.mulf %get3A_261, %get3A_2 : vector<16xf32>
      %swap3A_263 = arith.index_cast %scan3A_198 : i32 to index
      %swap3A_264 = arith.constant 96 : index
      %swap3A_265 = tpu.vector_load %arg11[%swap3A_263, %swap3A_264] {strides = array<i32>} : memref<128x128xf32, #tpu.memory_space<vmem>>, vector<1x16xf32>,
      %swap3A_266 = vector.shape_cast %swap3A_265 : vector<1x16xf32> to vector<16xf32>
      %swap3A_267 = vector.shape_cast %mul3A_262 : vector<16xf32> to vector<1x16xf32>
      tpu.vector_store %arg11[%swap3A_263, %swap3A_264], %swap3A_267 {strides = array<i32>} : memref<128x128xf32, #tpu.memory_space<vmem>>, vector<1x16xf32>,
      %get3A_268 = arith.index_cast %scan3A_198 : i32 to index
      %get3A_269 = arith.constant 112 : index
      %get3A_270 = tpu.vector_load %arg11[%get3A_268, %get3A_269] {strides = array<i32>} : memref<128x128xf32, #tpu.memory_space<vmem>>, vector<1x16xf32>,
      %get3A_271 = vector.shape_cast %get3A_270 : vector<1x16xf32> to vector<16xf32>
      %mul3A_272 = arith.mulf %get3A_271, %get3A_5 : vector<16xf32>
      %swap3A_273 = arith.index_cast %scan3A_198 : i32 to index
      %swap3A_274 = arith.constant 112 : index
      %swap3A_275 = tpu.vector_load %arg11[%swap3A_273, %swap3A_274] {strides = array<i32>} : memref<128x128xf32, #tpu.memory_space<vmem>>, vector<1x16xf32>,
      %swap3A_276 = vector.shape_cast %swap3A_275 : vector<1x16xf32> to vector<16xf32>
      %swap3A_277 = vector.shape_cast %mul3A_272 : vector<16xf32> to vector<1x16xf32>
      tpu.vector_store %arg11[%swap3A_273, %swap3A_274], %swap3A_277 {strides = array<i32>} : memref<128x128xf32, #tpu.memory_space<vmem>>, vector<1x16xf32>,
    }
    %scan3A_56 = arith.constant 128 : i32
    %mul3A_57 = arith.constant 512 : i32
    %mul3A_58 = arith.muli %add3A, %mul3A_57 : i32
    %add3A_59 = arith.constant 0 : i32
    %add3A_60 = arith.addi %mul3A_58, %add3A_59 : i32
    %dma_start3A = arith.constant 0 : i32
    %dma_start3A_61 = tpu.memref_slice %arg5[%add3A_60, %dma_start3A] : memref<16384x128xf32, #tpu.memory_space<hbm>> -> memref<128x128xf32, #tpu.memory_space<hbm>>
    %dma_start3A_62 = arith.constant 0 : i32
    %dma_start3A_63 = tpu.memref_slice %arg5[%add3A_60, %dma_start3A_62] : memref<16384x128xf32, #tpu.memory_space<hbm>> -> memref<128x128xf32, #tpu.memory_space<hbm>>
    tpu.enqueue_dma source(%arg11 : memref<128x128xf32, #tpu.memory_space<vmem>>) target(%dma_start3A_63 : memref<128x128xf32, #tpu.memory_space<hbm>>) target_semaphore(%arg16 : memref<!tpu.dma_semaphore, #tpu.memory_space<semaphore_mem>>)
    %mul3A_64 = arith.constant 2048 : i32
    %mul3A_65 = arith.muli %add3A, %mul3A_64 : i32
    %add3A_66 = arith.constant 1024 : i32
    %add3A_67 = arith.addi %mul3A_65, %add3A_66 : i32
    %scan3A_68 = arith.constant 0 : i32
    %scan3A_69 = arith.constant 0 : i32
    %scan3A_70 = arith.constant 128 : i32
    %scan3A_71 = arith.addi %scan3A_69, %scan3A_70 : i32
    %scan3A_72 = arith.constant 1 : i32
    scf.for %scan3A_198 = %scan3A_69 to %scan3A_71 step %scan3A_72  : i32 {
      %mul3A_199 = arith.constant 4 : i32
      %mul3A_200 = arith.muli %scan3A_198, %mul3A_199 : i32
      %add3A_201 = arith.addi %add3A_67, %mul3A_200 : i32
      %add3A_202 = arith.constant 0 : i32
      %add3A_203 = arith.addi %add3A_202, %add3A_201 : i32
      %add3A_204 = vector.broadcast %add3A_203 : i32 to vector<16xi32>
      %add3A_205 = arith.addi %mul3A_8, %add3A_204 : vector<16xi32>
      %swap3A = arith.index_cast %scan3A_198 : i32 to index
      %swap3A_206 = arith.constant 0 : index
      %swap3A_207 = tpu.vector_load %arg7[%swap3A, %swap3A_206] {strides = array<i32>} : memref<128x128xi32, #tpu.memory_space<vmem>>, vector<1x16xi32>,
      %swap3A_208 = vector.shape_cast %swap3A_207 : vector<1x16xi32> to vector<16xi32>
      %swap3A_209 = vector.shape_cast %add3A_205 : vector<16xi32> to vector<1x16xi32>
      tpu.vector_store %arg7[%swap3A, %swap3A_206], %swap3A_209 {strides = array<i32>} : memref<128x128xi32, #tpu.memory_space<vmem>>, vector<1x16xi32>,
      %add3A_210 = arith.constant 1048576 : i32
      %add3A_211 = arith.addi %add3A_210, %add3A_201 : i32
      %add3A_212 = vector.broadcast %add3A_211 : i32 to vector<16xi32>
      %add3A_213 = arith.addi %mul3A_8, %add3A_212 : vector<16xi32>
      %swap3A_214 = arith.index_cast %scan3A_198 : i32 to index
      %swap3A_215 = arith.constant 16 : index
      %swap3A_216 = tpu.vector_load %arg7[%swap3A_214, %swap3A_215] {strides = array<i32>} : memref<128x128xi32, #tpu.memory_space<vmem>>, vector<1x16xi32>,
      %swap3A_217 = vector.shape_cast %swap3A_216 : vector<1x16xi32> to vector<16xi32>
      %swap3A_218 = vector.shape_cast %add3A_213 : vector<16xi32> to vector<1x16xi32>
      tpu.vector_store %arg7[%swap3A_214, %swap3A_215], %swap3A_218 {strides = array<i32>} : memref<128x128xi32, #tpu.memory_space<vmem>>, vector<1x16xi32>,
      %add3A_219 = arith.constant 1 : i32
      %add3A_220 = arith.addi %add3A_219, %add3A_201 : i32
      %add3A_221 = vector.broadcast %add3A_220 : i32 to vector<16xi32>
      %add3A_222 = arith.addi %mul3A_8, %add3A_221 : vector<16xi32>
      %swap3A_223 = arith.index_cast %scan3A_198 : i32 to index
      %swap3A_224 = arith.constant 32 : index
      %swap3A_225 = tpu.vector_load %arg7[%swap3A_223, %swap3A_224] {strides = array<i32>} : memref<128x128xi32, #tpu.memory_space<vmem>>, vector<1x16xi32>,
      %swap3A_226 = vector.shape_cast %swap3A_225 : vector<1x16xi32> to vector<16xi32>
      %swap3A_227 = vector.shape_cast %add3A_222 : vector<16xi32> to vector<1x16xi32>
      tpu.vector_store %arg7[%swap3A_223, %swap3A_224], %swap3A_227 {strides = array<i32>} : memref<128x128xi32, #tpu.memory_space<vmem>>, vector<1x16xi32>,
      %add3A_228 = arith.constant 1048577 : i32
      %add3A_229 = arith.addi %add3A_228, %add3A_201 : i32
      %add3A_230 = vector.broadcast %add3A_229 : i32 to vector<16xi32>
      %add3A_231 = arith.addi %mul3A_8, %add3A_230 : vector<16xi32>
      %swap3A_232 = arith.index_cast %scan3A_198 : i32 to index
      %swap3A_233 = arith.constant 48 : index
      %swap3A_234 = tpu.vector_load %arg7[%swap3A_232, %swap3A_233] {strides = array<i32>} : memref<128x128xi32, #tpu.memory_space<vmem>>, vector<1x16xi32>,
      %swap3A_235 = vector.shape_cast %swap3A_234 : vector<1x16xi32> to vector<16xi32>
      %swap3A_236 = vector.shape_cast %add3A_231 : vector<16xi32> to vector<1x16xi32>
      tpu.vector_store %arg7[%swap3A_232, %swap3A_233], %swap3A_236 {strides = array<i32>} : memref<128x128xi32, #tpu.memory_space<vmem>>, vector<1x16xi32>,
      %add3A_237 = arith.constant 2 : i32
      %add3A_238 = arith.addi %add3A_237, %add3A_201 : i32
      %add3A_239 = vector.broadcast %add3A_238 : i32 to vector<16xi32>
      %add3A_240 = arith.addi %mul3A_8, %add3A_239 : vector<16xi32>
      %swap3A_241 = arith.index_cast %scan3A_198 : i32 to index
      %swap3A_242 = arith.constant 64 : index
      %swap3A_243 = tpu.vector_load %arg7[%swap3A_241, %swap3A_242] {strides = array<i32>} : memref<128x128xi32, #tpu.memory_space<vmem>>, vector<1x16xi32>,
      %swap3A_244 = vector.shape_cast %swap3A_243 : vector<1x16xi32> to vector<16xi32>
      %swap3A_245 = vector.shape_cast %add3A_240 : vector<16xi32> to vector<1x16xi32>
      tpu.vector_store %arg7[%swap3A_241, %swap3A_242], %swap3A_245 {strides = array<i32>} : memref<128x128xi32, #tpu.memory_space<vmem>>, vector<1x16xi32>,
      %add3A_246 = arith.constant 1048578 : i32
      %add3A_247 = arith.addi %add3A_246, %add3A_201 : i32
      %add3A_248 = vector.broadcast %add3A_247 : i32 to vector<16xi32>
      %add3A_249 = arith.addi %mul3A_8, %add3A_248 : vector<16xi32>
      %swap3A_250 = arith.index_cast %scan3A_198 : i32 to index
      %swap3A_251 = arith.constant 80 : index
      %swap3A_252 = tpu.vector_load %arg7[%swap3A_250, %swap3A_251] {strides = array<i32>} : memref<128x128xi32, #tpu.memory_space<vmem>>, vector<1x16xi32>,
      %swap3A_253 = vector.shape_cast %swap3A_252 : vector<1x16xi32> to vector<16xi32>
      %swap3A_254 = vector.shape_cast %add3A_249 : vector<16xi32> to vector<1x16xi32>
      tpu.vector_store %arg7[%swap3A_250, %swap3A_251], %swap3A_254 {strides = array<i32>} : memref<128x128xi32, #tpu.memory_space<vmem>>, vector<1x16xi32>,
      %add3A_255 = arith.constant 3 : i32
      %add3A_256 = arith.addi %add3A_255, %add3A_201 : i32
      %add3A_257 = vector.broadcast %add3A_256 : i32 to vector<16xi32>
      %add3A_258 = arith.addi %mul3A_8, %add3A_257 : vector<16xi32>
      %swap3A_259 = arith.index_cast %scan3A_198 : i32 to index
      %swap3A_260 = arith.constant 96 : index
      %swap3A_261 = tpu.vector_load %arg7[%swap3A_259, %swap3A_260] {strides = array<i32>} : memref<128x128xi32, #tpu.memory_space<vmem>>, vector<1x16xi32>,
      %swap3A_262 = vector.shape_cast %swap3A_261 : vector<1x16xi32> to vector<16xi32>
      %swap3A_263 = vector.shape_cast %add3A_258 : vector<16xi32> to vector<1x16xi32>
      tpu.vector_store %arg7[%swap3A_259, %swap3A_260], %swap3A_263 {strides = array<i32>} : memref<128x128xi32, #tpu.memory_space<vmem>>, vector<1x16xi32>,
      %add3A_264 = arith.constant 1048579 : i32
      %add3A_265 = arith.addi %add3A_264, %add3A_201 : i32
      %add3A_266 = vector.broadcast %add3A_265 : i32 to vector<16xi32>
      %add3A_267 = arith.addi %mul3A_8, %add3A_266 : vector<16xi32>
      %swap3A_268 = arith.index_cast %scan3A_198 : i32 to index
      %swap3A_269 = arith.constant 112 : index
      %swap3A_270 = tpu.vector_load %arg7[%swap3A_268, %swap3A_269] {strides = array<i32>} : memref<128x128xi32, #tpu.memory_space<vmem>>, vector<1x16xi32>,
      %swap3A_271 = vector.shape_cast %swap3A_270 : vector<1x16xi32> to vector<16xi32>
      %swap3A_272 = vector.shape_cast %add3A_267 : vector<16xi32> to vector<1x16xi32>
      tpu.vector_store %arg7[%swap3A_268, %swap3A_269], %swap3A_272 {strides = array<i32>} : memref<128x128xi32, #tpu.memory_space<vmem>>, vector<1x16xi32>,
    }
    %scan3A_73 = arith.constant 128 : i32
    tpu.wait_dma2 semaphore(%arg14 : memref<!tpu.dma_semaphore, #tpu.memory_space<semaphore_mem>>) src(%arg6 : memref<128x128xi32, #tpu.memory_space<hbm>>) dst(%arg10 : memref<128x128xi32, #tpu.memory_space<vmem>>)
    %scan3A_74 = arith.constant 0 : i32
    %scan3A_75 = arith.constant 0 : i32
    %scan3A_76 = arith.constant 128 : i32
    %scan3A_77 = arith.addi %scan3A_75, %scan3A_76 : i32
    %scan3A_78 = arith.constant 1 : i32
    scf.for %scan3A_198 = %scan3A_75 to %scan3A_77 step %scan3A_78  : i32 {
      %dma_start3A_199 = arith.constant 0 : i32
      %dma_start3A_200 = tpu.memref_slice %arg12[%scan3A_198, %dma_start3A_199] : memref<128x128xf32, #tpu.memory_space<vmem>> -> memref<1x128xf32, #tpu.memory_space<vmem>>
      %dma_start3A_201 = tpu.memref_squeeze %dma_start3A_200 : memref<1x128xf32, #tpu.memory_space<vmem>> -> memref<128xf32, #tpu.memory_space<vmem>>
      %dma_start3A_202 = arith.constant 0 : i32
      %dma_start3A_203 = tpu.memref_slice %arg10[%scan3A_198, %dma_start3A_202] : memref<128x128xi32, #tpu.memory_space<vmem>> -> memref<1x128xi32, #tpu.memory_space<vmem>>
      %dma_start3A_204 = tpu.memref_squeeze %dma_start3A_203 : memref<1x128xi32, #tpu.memory_space<vmem>> -> memref<128xi32, #tpu.memory_space<vmem>>
      %dma_start3A_205 = arith.constant 0 : i32
      %dma_start3A_206 = tpu.memref_slice %arg2[%dma_start3A_205] : memref<1048576xf32, #tpu.memory_space<hbm>> -> memref<1048576xf32, #tpu.memory_space<hbm>>
      tpu.enqueue_indirect_dma source(%dma_start3A_206 : memref<1048576xf32, #tpu.memory_space<hbm>>) target(%dma_start3A_201 : memref<128xf32, #tpu.memory_space<vmem>>) offsets(%dma_start3A_204 : memref<128xi32, #tpu.memory_space<vmem>>) semaphore(%arg15 : memref<!tpu.dma_semaphore, #tpu.memory_space<semaphore_mem>>)
    }
    %scan3A_79 = arith.constant 128 : i32
    %scan3A_80 = arith.constant 0 : i32
    %scan3A_81 = arith.constant 0 : i32
    %scan3A_82 = arith.constant 128 : i32
    %scan3A_83 = arith.addi %scan3A_81, %scan3A_82 : i32
    %scan3A_84 = arith.constant 1 : i32
    scf.for %scan3A_198 = %scan3A_81 to %scan3A_83 step %scan3A_84  : i32 {
      %dma_start3A_199 = arith.constant 0 : i32
      %dma_start3A_200 = tpu.memref_slice %arg9[%scan3A_198, %dma_start3A_199] : memref<128x128xi32, #tpu.memory_space<vmem>> -> memref<1x128xi32, #tpu.memory_space<vmem>>
      %dma_start3A_201 = tpu.memref_squeeze %dma_start3A_200 : memref<1x128xi32, #tpu.memory_space<vmem>> -> memref<128xi32, #tpu.memory_space<vmem>>
      %dma_start3A_202 = arith.constant 0 : i32
      %dma_start3A_203 = tpu.memref_slice %arg7[%scan3A_198, %dma_start3A_202] : memref<128x128xi32, #tpu.memory_space<vmem>> -> memref<1x128xi32, #tpu.memory_space<vmem>>
      %dma_start3A_204 = tpu.memref_squeeze %dma_start3A_203 : memref<1x128xi32, #tpu.memory_space<vmem>> -> memref<128xi32, #tpu.memory_space<vmem>>
      %dma_start3A_205 = arith.constant 0 : i32
      %dma_start3A_206 = tpu.memref_slice %arg3[%dma_start3A_205] : memref<2097152xi32, #tpu.memory_space<hbm>> -> memref<2097152xi32, #tpu.memory_space<hbm>>
      tpu.enqueue_indirect_dma source(%dma_start3A_206 : memref<2097152xi32, #tpu.memory_space<hbm>>) target(%dma_start3A_201 : memref<128xi32, #tpu.memory_space<vmem>>) offsets(%dma_start3A_204 : memref<128xi32, #tpu.memory_space<vmem>>) semaphore(%arg14 : memref<!tpu.dma_semaphore, #tpu.memory_space<semaphore_mem>>)
    }
    %scan3A_85 = arith.constant 128 : i32
    %dma_wait3A_86 = arith.constant 0 : i32
    %dma_wait3A_87 = arith.constant 0 : i32
    %dma_wait3A_88 = tpu.memref_slice %arg5[%dma_wait3A_86, %dma_wait3A_87] : memref<16384x128xf32, #tpu.memory_space<hbm>> -> memref<128x128xf32, #tpu.memory_space<hbm>>
    %dma_wait3A_89 = arith.constant 0 : i32
    %dma_wait3A_90 = arith.constant 0 : i32
    %dma_wait3A_91 = tpu.memref_slice %arg5[%dma_wait3A_89, %dma_wait3A_90] : memref<16384x128xf32, #tpu.memory_space<hbm>> -> memref<128x128xf32, #tpu.memory_space<hbm>>
    tpu.wait_dma2 semaphore(%arg15 : memref<!tpu.dma_semaphore, #tpu.memory_space<semaphore_mem>>) src(%dma_wait3A_91 : memref<128x128xf32, #tpu.memory_space<hbm>>) dst(%arg12 : memref<128x128xf32, #tpu.memory_space<vmem>>)
    %scan3A_92 = arith.constant 0 : i32
    %scan3A_93 = arith.constant 0 : i32
    %scan3A_94 = arith.constant 128 : i32
    %scan3A_95 = arith.addi %scan3A_93, %scan3A_94 : i32
    %scan3A_96 = arith.constant 1 : i32
    scf.for %scan3A_198 = %scan3A_93 to %scan3A_95 step %scan3A_96  : i32 {
      %get3A_199 = arith.index_cast %scan3A_198 : i32 to index
      %get3A_200 = arith.constant 0 : index
      %get3A_201 = tpu.vector_load %arg12[%get3A_199, %get3A_200] {strides = array<i32>} : memref<128x128xf32, #tpu.memory_space<vmem>>, vector<1x16xf32>,
      %get3A_202 = vector.shape_cast %get3A_201 : vector<1x16xf32> to vector<16xf32>
      %mul3A_203 = arith.mulf %get3A_202, %get3A_2 : vector<16xf32>
      %swap3A = arith.index_cast %scan3A_198 : i32 to index
      %swap3A_204 = arith.constant 0 : index
      %swap3A_205 = tpu.vector_load %arg12[%swap3A, %swap3A_204] {strides = array<i32>} : memref<128x128xf32, #tpu.memory_space<vmem>>, vector<1x16xf32>,
      %swap3A_206 = vector.shape_cast %swap3A_205 : vector<1x16xf32> to vector<16xf32>
      %swap3A_207 = vector.shape_cast %mul3A_203 : vector<16xf32> to vector<1x16xf32>
      tpu.vector_store %arg12[%swap3A, %swap3A_204], %swap3A_207 {strides = array<i32>} : memref<128x128xf32, #tpu.memory_space<vmem>>, vector<1x16xf32>,
      %get3A_208 = arith.index_cast %scan3A_198 : i32 to index
      %get3A_209 = arith.constant 16 : index
      %get3A_210 = tpu.vector_load %arg12[%get3A_208, %get3A_209] {strides = array<i32>} : memref<128x128xf32, #tpu.memory_space<vmem>>, vector<1x16xf32>,
      %get3A_211 = vector.shape_cast %get3A_210 : vector<1x16xf32> to vector<16xf32>
      %mul3A_212 = arith.mulf %get3A_211, %get3A_5 : vector<16xf32>
      %swap3A_213 = arith.index_cast %scan3A_198 : i32 to index
      %swap3A_214 = arith.constant 16 : index
      %swap3A_215 = tpu.vector_load %arg12[%swap3A_213, %swap3A_214] {strides = array<i32>} : memref<128x128xf32, #tpu.memory_space<vmem>>, vector<1x16xf32>,
      %swap3A_216 = vector.shape_cast %swap3A_215 : vector<1x16xf32> to vector<16xf32>
      %swap3A_217 = vector.shape_cast %mul3A_212 : vector<16xf32> to vector<1x16xf32>
      tpu.vector_store %arg12[%swap3A_213, %swap3A_214], %swap3A_217 {strides = array<i32>} : memref<128x128xf32, #tpu.memory_space<vmem>>, vector<1x16xf32>,
      %get3A_218 = arith.index_cast %scan3A_198 : i32 to index
      %get3A_219 = arith.constant 32 : index
      %get3A_220 = tpu.vector_load %arg12[%get3A_218, %get3A_219] {strides = array<i32>} : memref<128x128xf32, #tpu.memory_space<vmem>>, vector<1x16xf32>,
      %get3A_221 = vector.shape_cast %get3A_220 : vector<1x16xf32> to vector<16xf32>
      %mul3A_222 = arith.mulf %get3A_221, %get3A_2 : vector<16xf32>
      %swap3A_223 = arith.index_cast %scan3A_198 : i32 to index
      %swap3A_224 = arith.constant 32 : index
      %swap3A_225 = tpu.vector_load %arg12[%swap3A_223, %swap3A_224] {strides = array<i32>} : memref<128x128xf32, #tpu.memory_space<vmem>>, vector<1x16xf32>,
      %swap3A_226 = vector.shape_cast %swap3A_225 : vector<1x16xf32> to vector<16xf32>
      %swap3A_227 = vector.shape_cast %mul3A_222 : vector<16xf32> to vector<1x16xf32>
      tpu.vector_store %arg12[%swap3A_223, %swap3A_224], %swap3A_227 {strides = array<i32>} : memref<128x128xf32, #tpu.memory_space<vmem>>, vector<1x16xf32>,
      %get3A_228 = arith.index_cast %scan3A_198 : i32 to index
      %get3A_229 = arith.constant 48 : index
      %get3A_230 = tpu.vector_load %arg12[%get3A_228, %get3A_229] {strides = array<i32>} : memref<128x128xf32, #tpu.memory_space<vmem>>, vector<1x16xf32>,
      %get3A_231 = vector.shape_cast %get3A_230 : vector<1x16xf32> to vector<16xf32>
      %mul3A_232 = arith.mulf %get3A_231, %get3A_5 : vector<16xf32>
      %swap3A_233 = arith.index_cast %scan3A_198 : i32 to index
      %swap3A_234 = arith.constant 48 : index
      %swap3A_235 = tpu.vector_load %arg12[%swap3A_233, %swap3A_234] {strides = array<i32>} : memref<128x128xf32, #tpu.memory_space<vmem>>, vector<1x16xf32>,
      %swap3A_236 = vector.shape_cast %swap3A_235 : vector<1x16xf32> to vector<16xf32>
      %swap3A_237 = vector.shape_cast %mul3A_232 : vector<16xf32> to vector<1x16xf32>
      tpu.vector_store %arg12[%swap3A_233, %swap3A_234], %swap3A_237 {strides = array<i32>} : memref<128x128xf32, #tpu.memory_space<vmem>>, vector<1x16xf32>,
      %get3A_238 = arith.index_cast %scan3A_198 : i32 to index
      %get3A_239 = arith.constant 64 : index
      %get3A_240 = tpu.vector_load %arg12[%get3A_238, %get3A_239] {strides = array<i32>} : memref<128x128xf32, #tpu.memory_space<vmem>>, vector<1x16xf32>,
      %get3A_241 = vector.shape_cast %get3A_240 : vector<1x16xf32> to vector<16xf32>
      %mul3A_242 = arith.mulf %get3A_241, %get3A_2 : vector<16xf32>
      %swap3A_243 = arith.index_cast %scan3A_198 : i32 to index
      %swap3A_244 = arith.constant 64 : index
      %swap3A_245 = tpu.vector_load %arg12[%swap3A_243, %swap3A_244] {strides = array<i32>} : memref<128x128xf32, #tpu.memory_space<vmem>>, vector<1x16xf32>,
      %swap3A_246 = vector.shape_cast %swap3A_245 : vector<1x16xf32> to vector<16xf32>
      %swap3A_247 = vector.shape_cast %mul3A_242 : vector<16xf32> to vector<1x16xf32>
      tpu.vector_store %arg12[%swap3A_243, %swap3A_244], %swap3A_247 {strides = array<i32>} : memref<128x128xf32, #tpu.memory_space<vmem>>, vector<1x16xf32>,
      %get3A_248 = arith.index_cast %scan3A_198 : i32 to index
      %get3A_249 = arith.constant 80 : index
      %get3A_250 = tpu.vector_load %arg12[%get3A_248, %get3A_249] {strides = array<i32>} : memref<128x128xf32, #tpu.memory_space<vmem>>, vector<1x16xf32>,
      %get3A_251 = vector.shape_cast %get3A_250 : vector<1x16xf32> to vector<16xf32>
      %mul3A_252 = arith.mulf %get3A_251, %get3A_5 : vector<16xf32>
      %swap3A_253 = arith.index_cast %scan3A_198 : i32 to index
      %swap3A_254 = arith.constant 80 : index
      %swap3A_255 = tpu.vector_load %arg12[%swap3A_253, %swap3A_254] {strides = array<i32>} : memref<128x128xf32, #tpu.memory_space<vmem>>, vector<1x16xf32>,
      %swap3A_256 = vector.shape_cast %swap3A_255 : vector<1x16xf32> to vector<16xf32>
      %swap3A_257 = vector.shape_cast %mul3A_252 : vector<16xf32> to vector<1x16xf32>
      tpu.vector_store %arg12[%swap3A_253, %swap3A_254], %swap3A_257 {strides = array<i32>} : memref<128x128xf32, #tpu.memory_space<vmem>>, vector<1x16xf32>,
      %get3A_258 = arith.index_cast %scan3A_198 : i32 to index
      %get3A_259 = arith.constant 96 : index
      %get3A_260 = tpu.vector_load %arg12[%get3A_258, %get3A_259] {strides = array<i32>} : memref<128x128xf32, #tpu.memory_space<vmem>>, vector<1x16xf32>,
      %get3A_261 = vector.shape_cast %get3A_260 : vector<1x16xf32> to vector<16xf32>
      %mul3A_262 = arith.mulf %get3A_261, %get3A_2 : vector<16xf32>
      %swap3A_263 = arith.index_cast %scan3A_198 : i32 to index
      %swap3A_264 = arith.constant 96 : index
      %swap3A_265 = tpu.vector_load %arg12[%swap3A_263, %swap3A_264] {strides = array<i32>} : memref<128x128xf32, #tpu.memory_space<vmem>>, vector<1x16xf32>,
      %swap3A_266 = vector.shape_cast %swap3A_265 : vector<1x16xf32> to vector<16xf32>
      %swap3A_267 = vector.shape_cast %mul3A_262 : vector<16xf32> to vector<1x16xf32>
      tpu.vector_store %arg12[%swap3A_263, %swap3A_264], %swap3A_267 {strides = array<i32>} : memref<128x128xf32, #tpu.memory_space<vmem>>, vector<1x16xf32>,
      %get3A_268 = arith.index_cast %scan3A_198 : i32 to index
      %get3A_269 = arith.constant 112 : index
      %get3A_270 = tpu.vector_load %arg12[%get3A_268, %get3A_269] {strides = array<i32>} : memref<128x128xf32, #tpu.memory_space<vmem>>, vector<1x16xf32>,
      %get3A_271 = vector.shape_cast %get3A_270 : vector<1x16xf32> to vector<16xf32>
      %mul3A_272 = arith.mulf %get3A_271, %get3A_5 : vector<16xf32>
      %swap3A_273 = arith.index_cast %scan3A_198 : i32 to index
      %swap3A_274 = arith.constant 112 : index
      %swap3A_275 = tpu.vector_load %arg12[%swap3A_273, %swap3A_274] {strides = array<i32>} : memref<128x128xf32, #tpu.memory_space<vmem>>, vector<1x16xf32>,
      %swap3A_276 = vector.shape_cast %swap3A_275 : vector<1x16xf32> to vector<16xf32>
      %swap3A_277 = vector.shape_cast %mul3A_272 : vector<16xf32> to vector<1x16xf32>
      tpu.vector_store %arg12[%swap3A_273, %swap3A_274], %swap3A_277 {strides = array<i32>} : memref<128x128xf32, #tpu.memory_space<vmem>>, vector<1x16xf32>,
    }
    %scan3A_97 = arith.constant 128 : i32
    %mul3A_98 = arith.constant 512 : i32
    %mul3A_99 = arith.muli %add3A, %mul3A_98 : i32
    %add3A_100 = arith.constant 128 : i32
    %add3A_101 = arith.addi %mul3A_99, %add3A_100 : i32
    %dma_start3A_102 = arith.constant 0 : i32
    %dma_start3A_103 = tpu.memref_slice %arg5[%add3A_101, %dma_start3A_102] : memref<16384x128xf32, #tpu.memory_space<hbm>> -> memref<128x128xf32, #tpu.memory_space<hbm>>
    %dma_start3A_104 = arith.constant 0 : i32
    %dma_start3A_105 = tpu.memref_slice %arg5[%add3A_101, %dma_start3A_104] : memref<16384x128xf32, #tpu.memory_space<hbm>> -> memref<128x128xf32, #tpu.memory_space<hbm>>
    tpu.enqueue_dma source(%arg12 : memref<128x128xf32, #tpu.memory_space<vmem>>) target(%dma_start3A_105 : memref<128x128xf32, #tpu.memory_space<hbm>>) target_semaphore(%arg17 : memref<!tpu.dma_semaphore, #tpu.memory_space<semaphore_mem>>)
    %mul3A_106 = arith.constant 2048 : i32
    %mul3A_107 = arith.muli %add3A, %mul3A_106 : i32
    %add3A_108 = arith.constant 1536 : i32
    %add3A_109 = arith.addi %mul3A_107, %add3A_108 : i32
    %scan3A_110 = arith.constant 0 : i32
    %scan3A_111 = arith.constant 0 : i32
    %scan3A_112 = arith.constant 128 : i32
    %scan3A_113 = arith.addi %scan3A_111, %scan3A_112 : i32
    %scan3A_114 = arith.constant 1 : i32
    scf.for %scan3A_198 = %scan3A_111 to %scan3A_113 step %scan3A_114  : i32 {
      %mul3A_199 = arith.constant 4 : i32
      %mul3A_200 = arith.muli %scan3A_198, %mul3A_199 : i32
      %add3A_201 = arith.addi %add3A_109, %mul3A_200 : i32
      %add3A_202 = arith.constant 0 : i32
      %add3A_203 = arith.addi %add3A_202, %add3A_201 : i32
      %add3A_204 = vector.broadcast %add3A_203 : i32 to vector<16xi32>
      %add3A_205 = arith.addi %mul3A_8, %add3A_204 : vector<16xi32>
      %swap3A = arith.index_cast %scan3A_198 : i32 to index
      %swap3A_206 = arith.constant 0 : index
      %swap3A_207 = tpu.vector_load %arg8[%swap3A, %swap3A_206] {strides = array<i32>} : memref<128x128xi32, #tpu.memory_space<vmem>>, vector<1x16xi32>,
      %swap3A_208 = vector.shape_cast %swap3A_207 : vector<1x16xi32> to vector<16xi32>
      %swap3A_209 = vector.shape_cast %add3A_205 : vector<16xi32> to vector<1x16xi32>
      tpu.vector_store %arg8[%swap3A, %swap3A_206], %swap3A_209 {strides = array<i32>} : memref<128x128xi32, #tpu.memory_space<vmem>>, vector<1x16xi32>,
      %add3A_210 = arith.constant 1048576 : i32
      %add3A_211 = arith.addi %add3A_210, %add3A_201 : i32
      %add3A_212 = vector.broadcast %add3A_211 : i32 to vector<16xi32>
      %add3A_213 = arith.addi %mul3A_8, %add3A_212 : vector<16xi32>
      %swap3A_214 = arith.index_cast %scan3A_198 : i32 to index
      %swap3A_215 = arith.constant 16 : index
      %swap3A_216 = tpu.vector_load %arg8[%swap3A_214, %swap3A_215] {strides = array<i32>} : memref<128x128xi32, #tpu.memory_space<vmem>>, vector<1x16xi32>,
      %swap3A_217 = vector.shape_cast %swap3A_216 : vector<1x16xi32> to vector<16xi32>
      %swap3A_218 = vector.shape_cast %add3A_213 : vector<16xi32> to vector<1x16xi32>
      tpu.vector_store %arg8[%swap3A_214, %swap3A_215], %swap3A_218 {strides = array<i32>} : memref<128x128xi32, #tpu.memory_space<vmem>>, vector<1x16xi32>,
      %add3A_219 = arith.constant 1 : i32
      %add3A_220 = arith.addi %add3A_219, %add3A_201 : i32
      %add3A_221 = vector.broadcast %add3A_220 : i32 to vector<16xi32>
      %add3A_222 = arith.addi %mul3A_8, %add3A_221 : vector<16xi32>
      %swap3A_223 = arith.index_cast %scan3A_198 : i32 to index
      %swap3A_224 = arith.constant 32 : index
      %swap3A_225 = tpu.vector_load %arg8[%swap3A_223, %swap3A_224] {strides = array<i32>} : memref<128x128xi32, #tpu.memory_space<vmem>>, vector<1x16xi32>,
      %swap3A_226 = vector.shape_cast %swap3A_225 : vector<1x16xi32> to vector<16xi32>
      %swap3A_227 = vector.shape_cast %add3A_222 : vector<16xi32> to vector<1x16xi32>
      tpu.vector_store %arg8[%swap3A_223, %swap3A_224], %swap3A_227 {strides = array<i32>} : memref<128x128xi32, #tpu.memory_space<vmem>>, vector<1x16xi32>,
      %add3A_228 = arith.constant 1048577 : i32
      %add3A_229 = arith.addi %add3A_228, %add3A_201 : i32
      %add3A_230 = vector.broadcast %add3A_229 : i32 to vector<16xi32>
      %add3A_231 = arith.addi %mul3A_8, %add3A_230 : vector<16xi32>
      %swap3A_232 = arith.index_cast %scan3A_198 : i32 to index
      %swap3A_233 = arith.constant 48 : index
      %swap3A_234 = tpu.vector_load %arg8[%swap3A_232, %swap3A_233] {strides = array<i32>} : memref<128x128xi32, #tpu.memory_space<vmem>>, vector<1x16xi32>,
      %swap3A_235 = vector.shape_cast %swap3A_234 : vector<1x16xi32> to vector<16xi32>
      %swap3A_236 = vector.shape_cast %add3A_231 : vector<16xi32> to vector<1x16xi32>
      tpu.vector_store %arg8[%swap3A_232, %swap3A_233], %swap3A_236 {strides = array<i32>} : memref<128x128xi32, #tpu.memory_space<vmem>>, vector<1x16xi32>,
      %add3A_237 = arith.constant 2 : i32
      %add3A_238 = arith.addi %add3A_237, %add3A_201 : i32
      %add3A_239 = vector.broadcast %add3A_238 : i32 to vector<16xi32>
      %add3A_240 = arith.addi %mul3A_8, %add3A_239 : vector<16xi32>
      %swap3A_241 = arith.index_cast %scan3A_198 : i32 to index
      %swap3A_242 = arith.constant 64 : index
      %swap3A_243 = tpu.vector_load %arg8[%swap3A_241, %swap3A_242] {strides = array<i32>} : memref<128x128xi32, #tpu.memory_space<vmem>>, vector<1x16xi32>,
      %swap3A_244 = vector.shape_cast %swap3A_243 : vector<1x16xi32> to vector<16xi32>
      %swap3A_245 = vector.shape_cast %add3A_240 : vector<16xi32> to vector<1x16xi32>
      tpu.vector_store %arg8[%swap3A_241, %swap3A_242], %swap3A_245 {strides = array<i32>} : memref<128x128xi32, #tpu.memory_space<vmem>>, vector<1x16xi32>,
      %add3A_246 = arith.constant 1048578 : i32
      %add3A_247 = arith.addi %add3A_246, %add3A_201 : i32
      %add3A_248 = vector.broadcast %add3A_247 : i32 to vector<16xi32>
      %add3A_249 = arith.addi %mul3A_8, %add3A_248 : vector<16xi32>
      %swap3A_250 = arith.index_cast %scan3A_198 : i32 to index
      %swap3A_251 = arith.constant 80 : index
      %swap3A_252 = tpu.vector_load %arg8[%swap3A_250, %swap3A_251] {strides = array<i32>} : memref<128x128xi32, #tpu.memory_space<vmem>>, vector<1x16xi32>,
      %swap3A_253 = vector.shape_cast %swap3A_252 : vector<1x16xi32> to vector<16xi32>
      %swap3A_254 = vector.shape_cast %add3A_249 : vector<16xi32> to vector<1x16xi32>
      tpu.vector_store %arg8[%swap3A_250, %swap3A_251], %swap3A_254 {strides = array<i32>} : memref<128x128xi32, #tpu.memory_space<vmem>>, vector<1x16xi32>,
      %add3A_255 = arith.constant 3 : i32
      %add3A_256 = arith.addi %add3A_255, %add3A_201 : i32
      %add3A_257 = vector.broadcast %add3A_256 : i32 to vector<16xi32>
      %add3A_258 = arith.addi %mul3A_8, %add3A_257 : vector<16xi32>
      %swap3A_259 = arith.index_cast %scan3A_198 : i32 to index
      %swap3A_260 = arith.constant 96 : index
      %swap3A_261 = tpu.vector_load %arg8[%swap3A_259, %swap3A_260] {strides = array<i32>} : memref<128x128xi32, #tpu.memory_space<vmem>>, vector<1x16xi32>,
      %swap3A_262 = vector.shape_cast %swap3A_261 : vector<1x16xi32> to vector<16xi32>
      %swap3A_263 = vector.shape_cast %add3A_258 : vector<16xi32> to vector<1x16xi32>
      tpu.vector_store %arg8[%swap3A_259, %swap3A_260], %swap3A_263 {strides = array<i32>} : memref<128x128xi32, #tpu.memory_space<vmem>>, vector<1x16xi32>,
      %add3A_264 = arith.constant 1048579 : i32
      %add3A_265 = arith.addi %add3A_264, %add3A_201 : i32
      %add3A_266 = vector.broadcast %add3A_265 : i32 to vector<16xi32>
      %add3A_267 = arith.addi %mul3A_8, %add3A_266 : vector<16xi32>
      %swap3A_268 = arith.index_cast %scan3A_198 : i32 to index
      %swap3A_269 = arith.constant 112 : index
      %swap3A_270 = tpu.vector_load %arg8[%swap3A_268, %swap3A_269] {strides = array<i32>} : memref<128x128xi32, #tpu.memory_space<vmem>>, vector<1x16xi32>,
      %swap3A_271 = vector.shape_cast %swap3A_270 : vector<1x16xi32> to vector<16xi32>
      %swap3A_272 = vector.shape_cast %add3A_267 : vector<16xi32> to vector<1x16xi32>
      tpu.vector_store %arg8[%swap3A_268, %swap3A_269], %swap3A_272 {strides = array<i32>} : memref<128x128xi32, #tpu.memory_space<vmem>>, vector<1x16xi32>,
    }
    %scan3A_115 = arith.constant 128 : i32
    tpu.wait_dma2 semaphore(%arg14 : memref<!tpu.dma_semaphore, #tpu.memory_space<semaphore_mem>>) src(%arg6 : memref<128x128xi32, #tpu.memory_space<hbm>>) dst(%arg9 : memref<128x128xi32, #tpu.memory_space<vmem>>)
    %scan3A_116 = arith.constant 0 : i32
    %scan3A_117 = arith.constant 0 : i32
    %scan3A_118 = arith.constant 128 : i32
    %scan3A_119 = arith.addi %scan3A_117, %scan3A_118 : i32
    %scan3A_120 = arith.constant 1 : i32
    scf.for %scan3A_198 = %scan3A_117 to %scan3A_119 step %scan3A_120  : i32 {
      %dma_start3A_199 = arith.constant 0 : i32
      %dma_start3A_200 = tpu.memref_slice %arg11[%scan3A_198, %dma_start3A_199] : memref<128x128xf32, #tpu.memory_space<vmem>> -> memref<1x128xf32, #tpu.memory_space<vmem>>
      %dma_start3A_201 = tpu.memref_squeeze %dma_start3A_200 : memref<1x128xf32, #tpu.memory_space<vmem>> -> memref<128xf32, #tpu.memory_space<vmem>>
      %dma_start3A_202 = arith.constant 0 : i32
      %dma_start3A_203 = tpu.memref_slice %arg9[%scan3A_198, %dma_start3A_202] : memref<128x128xi32, #tpu.memory_space<vmem>> -> memref<1x128xi32, #tpu.memory_space<vmem>>
      %dma_start3A_204 = tpu.memref_squeeze %dma_start3A_203 : memref<1x128xi32, #tpu.memory_space<vmem>> -> memref<128xi32, #tpu.memory_space<vmem>>
      %dma_start3A_205 = arith.constant 0 : i32
      %dma_start3A_206 = tpu.memref_slice %arg2[%dma_start3A_205] : memref<1048576xf32, #tpu.memory_space<hbm>> -> memref<1048576xf32, #tpu.memory_space<hbm>>
      tpu.enqueue_indirect_dma source(%dma_start3A_206 : memref<1048576xf32, #tpu.memory_space<hbm>>) target(%dma_start3A_201 : memref<128xf32, #tpu.memory_space<vmem>>) offsets(%dma_start3A_204 : memref<128xi32, #tpu.memory_space<vmem>>) semaphore(%arg15 : memref<!tpu.dma_semaphore, #tpu.memory_space<semaphore_mem>>)
    }
    %scan3A_121 = arith.constant 128 : i32
    %scan3A_122 = arith.constant 0 : i32
    %scan3A_123 = arith.constant 0 : i32
    %scan3A_124 = arith.constant 128 : i32
    %scan3A_125 = arith.addi %scan3A_123, %scan3A_124 : i32
    %scan3A_126 = arith.constant 1 : i32
    scf.for %scan3A_198 = %scan3A_123 to %scan3A_125 step %scan3A_126  : i32 {
      %dma_start3A_199 = arith.constant 0 : i32
      %dma_start3A_200 = tpu.memref_slice %arg10[%scan3A_198, %dma_start3A_199] : memref<128x128xi32, #tpu.memory_space<vmem>> -> memref<1x128xi32, #tpu.memory_space<vmem>>
      %dma_start3A_201 = tpu.memref_squeeze %dma_start3A_200 : memref<1x128xi32, #tpu.memory_space<vmem>> -> memref<128xi32, #tpu.memory_space<vmem>>
      %dma_start3A_202 = arith.constant 0 : i32
      %dma_start3A_203 = tpu.memref_slice %arg8[%scan3A_198, %dma_start3A_202] : memref<128x128xi32, #tpu.memory_space<vmem>> -> memref<1x128xi32, #tpu.memory_space<vmem>>
      %dma_start3A_204 = tpu.memref_squeeze %dma_start3A_203 : memref<1x128xi32, #tpu.memory_space<vmem>> -> memref<128xi32, #tpu.memory_space<vmem>>
      %dma_start3A_205 = arith.constant 0 : i32
      %dma_start3A_206 = tpu.memref_slice %arg3[%dma_start3A_205] : memref<2097152xi32, #tpu.memory_space<hbm>> -> memref<2097152xi32, #tpu.memory_space<hbm>>
      tpu.enqueue_indirect_dma source(%dma_start3A_206 : memref<2097152xi32, #tpu.memory_space<hbm>>) target(%dma_start3A_201 : memref<128xi32, #tpu.memory_space<vmem>>) offsets(%dma_start3A_204 : memref<128xi32, #tpu.memory_space<vmem>>) semaphore(%arg14 : memref<!tpu.dma_semaphore, #tpu.memory_space<semaphore_mem>>)
    }
    %scan3A_127 = arith.constant 128 : i32
    %dma_wait3A_128 = arith.constant 0 : i32
    %dma_wait3A_129 = arith.constant 0 : i32
    %dma_wait3A_130 = tpu.memref_slice %arg5[%dma_wait3A_128, %dma_wait3A_129] : memref<16384x128xf32, #tpu.memory_space<hbm>> -> memref<128x128xf32, #tpu.memory_space<hbm>>
    %dma_wait3A_131 = arith.constant 0 : i32
    %dma_wait3A_132 = arith.constant 0 : i32
    %dma_wait3A_133 = tpu.memref_slice %arg5[%dma_wait3A_131, %dma_wait3A_132] : memref<16384x128xf32, #tpu.memory_space<hbm>> -> memref<128x128xf32, #tpu.memory_space<hbm>>
    tpu.wait_dma2 semaphore(%arg15 : memref<!tpu.dma_semaphore, #tpu.memory_space<semaphore_mem>>) src(%dma_wait3A_133 : memref<128x128xf32, #tpu.memory_space<hbm>>) dst(%arg11 : memref<128x128xf32, #tpu.memory_space<vmem>>)
    %dma_wait3A_134 = arith.constant 0 : i32
    %dma_wait3A_135 = arith.constant 0 : i32
    %dma_wait3A_136 = tpu.memref_slice %arg5[%dma_wait3A_134, %dma_wait3A_135] : memref<16384x128xf32, #tpu.memory_space<hbm>> -> memref<128x128xf32, #tpu.memory_space<hbm>>
    %dma_wait3A_137 = arith.constant 0 : i32
    %dma_wait3A_138 = arith.constant 0 : i32
    %dma_wait3A_139 = tpu.memref_slice %arg5[%dma_wait3A_137, %dma_wait3A_138] : memref<16384x128xf32, #tpu.memory_space<hbm>> -> memref<128x128xf32, #tpu.memory_space<hbm>>
    tpu.wait_dma2 semaphore(%arg16 : memref<!tpu.dma_semaphore, #tpu.memory_space<semaphore_mem>>) src(%dma_wait3A_139 : memref<128x128xf32, #tpu.memory_space<hbm>>) dst(%arg11 : memref<128x128xf32, #tpu.memory_space<vmem>>)
    %scan3A_140 = arith.constant 0 : i32
    %scan3A_141 = arith.constant 0 : i32
    %scan3A_142 = arith.constant 128 : i32
    %scan3A_143 = arith.addi %scan3A_141, %scan3A_142 : i32
    %scan3A_144 = arith.constant 1 : i32
    scf.for %scan3A_198 = %scan3A_141 to %scan3A_143 step %scan3A_144  : i32 {
      %get3A_199 = arith.index_cast %scan3A_198 : i32 to index
      %get3A_200 = arith.constant 0 : index
      %get3A_201 = tpu.vector_load %arg11[%get3A_199, %get3A_200] {strides = array<i32>} : memref<128x128xf32, #tpu.memory_space<vmem>>, vector<1x16xf32>,
      %get3A_202 = vector.shape_cast %get3A_201 : vector<1x16xf32> to vector<16xf32>
      %mul3A_203 = arith.mulf %get3A_202, %get3A_2 : vector<16xf32>
      %swap3A = arith.index_cast %scan3A_198 : i32 to index
      %swap3A_204 = arith.constant 0 : index
      %swap3A_205 = tpu.vector_load %arg11[%swap3A, %swap3A_204] {strides = array<i32>} : memref<128x128xf32, #tpu.memory_space<vmem>>, vector<1x16xf32>,
      %swap3A_206 = vector.shape_cast %swap3A_205 : vector<1x16xf32> to vector<16xf32>
      %swap3A_207 = vector.shape_cast %mul3A_203 : vector<16xf32> to vector<1x16xf32>
      tpu.vector_store %arg11[%swap3A, %swap3A_204], %swap3A_207 {strides = array<i32>} : memref<128x128xf32, #tpu.memory_space<vmem>>, vector<1x16xf32>,
      %get3A_208 = arith.index_cast %scan3A_198 : i32 to index
      %get3A_209 = arith.constant 16 : index
      %get3A_210 = tpu.vector_load %arg11[%get3A_208, %get3A_209] {strides = array<i32>} : memref<128x128xf32, #tpu.memory_space<vmem>>, vector<1x16xf32>,
      %get3A_211 = vector.shape_cast %get3A_210 : vector<1x16xf32> to vector<16xf32>
      %mul3A_212 = arith.mulf %get3A_211, %get3A_5 : vector<16xf32>
      %swap3A_213 = arith.index_cast %scan3A_198 : i32 to index
      %swap3A_214 = arith.constant 16 : index
      %swap3A_215 = tpu.vector_load %arg11[%swap3A_213, %swap3A_214] {strides = array<i32>} : memref<128x128xf32, #tpu.memory_space<vmem>>, vector<1x16xf32>,
      %swap3A_216 = vector.shape_cast %swap3A_215 : vector<1x16xf32> to vector<16xf32>
      %swap3A_217 = vector.shape_cast %mul3A_212 : vector<16xf32> to vector<1x16xf32>
      tpu.vector_store %arg11[%swap3A_213, %swap3A_214], %swap3A_217 {strides = array<i32>} : memref<128x128xf32, #tpu.memory_space<vmem>>, vector<1x16xf32>,
      %get3A_218 = arith.index_cast %scan3A_198 : i32 to index
      %get3A_219 = arith.constant 32 : index
      %get3A_220 = tpu.vector_load %arg11[%get3A_218, %get3A_219] {strides = array<i32>} : memref<128x128xf32, #tpu.memory_space<vmem>>, vector<1x16xf32>,
      %get3A_221 = vector.shape_cast %get3A_220 : vector<1x16xf32> to vector<16xf32>
      %mul3A_222 = arith.mulf %get3A_221, %get3A_2 : vector<16xf32>
      %swap3A_223 = arith.index_cast %scan3A_198 : i32 to index
      %swap3A_224 = arith.constant 32 : index
      %swap3A_225 = tpu.vector_load %arg11[%swap3A_223, %swap3A_224] {strides = array<i32>} : memref<128x128xf32, #tpu.memory_space<vmem>>, vector<1x16xf32>,
      %swap3A_226 = vector.shape_cast %swap3A_225 : vector<1x16xf32> to vector<16xf32>
      %swap3A_227 = vector.shape_cast %mul3A_222 : vector<16xf32> to vector<1x16xf32>
      tpu.vector_store %arg11[%swap3A_223, %swap3A_224], %swap3A_227 {strides = array<i32>} : memref<128x128xf32, #tpu.memory_space<vmem>>, vector<1x16xf32>,
      %get3A_228 = arith.index_cast %scan3A_198 : i32 to index
      %get3A_229 = arith.constant 48 : index
      %get3A_230 = tpu.vector_load %arg11[%get3A_228, %get3A_229] {strides = array<i32>} : memref<128x128xf32, #tpu.memory_space<vmem>>, vector<1x16xf32>,
      %get3A_231 = vector.shape_cast %get3A_230 : vector<1x16xf32> to vector<16xf32>
      %mul3A_232 = arith.mulf %get3A_231, %get3A_5 : vector<16xf32>
      %swap3A_233 = arith.index_cast %scan3A_198 : i32 to index
      %swap3A_234 = arith.constant 48 : index
      %swap3A_235 = tpu.vector_load %arg11[%swap3A_233, %swap3A_234] {strides = array<i32>} : memref<128x128xf32, #tpu.memory_space<vmem>>, vector<1x16xf32>,
      %swap3A_236 = vector.shape_cast %swap3A_235 : vector<1x16xf32> to vector<16xf32>
      %swap3A_237 = vector.shape_cast %mul3A_232 : vector<16xf32> to vector<1x16xf32>
      tpu.vector_store %arg11[%swap3A_233, %swap3A_234], %swap3A_237 {strides = array<i32>} : memref<128x128xf32, #tpu.memory_space<vmem>>, vector<1x16xf32>,
      %get3A_238 = arith.index_cast %scan3A_198 : i32 to index
      %get3A_239 = arith.constant 64 : index
      %get3A_240 = tpu.vector_load %arg11[%get3A_238, %get3A_239] {strides = array<i32>} : memref<128x128xf32, #tpu.memory_space<vmem>>, vector<1x16xf32>,
      %get3A_241 = vector.shape_cast %get3A_240 : vector<1x16xf32> to vector<16xf32>
      %mul3A_242 = arith.mulf %get3A_241, %get3A_2 : vector<16xf32>
      %swap3A_243 = arith.index_cast %scan3A_198 : i32 to index
      %swap3A_244 = arith.constant 64 : index
      %swap3A_245 = tpu.vector_load %arg11[%swap3A_243, %swap3A_244] {strides = array<i32>} : memref<128x128xf32, #tpu.memory_space<vmem>>, vector<1x16xf32>,
      %swap3A_246 = vector.shape_cast %swap3A_245 : vector<1x16xf32> to vector<16xf32>
      %swap3A_247 = vector.shape_cast %mul3A_242 : vector<16xf32> to vector<1x16xf32>
      tpu.vector_store %arg11[%swap3A_243, %swap3A_244], %swap3A_247 {strides = array<i32>} : memref<128x128xf32, #tpu.memory_space<vmem>>, vector<1x16xf32>,
      %get3A_248 = arith.index_cast %scan3A_198 : i32 to index
      %get3A_249 = arith.constant 80 : index
      %get3A_250 = tpu.vector_load %arg11[%get3A_248, %get3A_249] {strides = array<i32>} : memref<128x128xf32, #tpu.memory_space<vmem>>, vector<1x16xf32>,
      %get3A_251 = vector.shape_cast %get3A_250 : vector<1x16xf32> to vector<16xf32>
      %mul3A_252 = arith.mulf %get3A_251, %get3A_5 : vector<16xf32>
      %swap3A_253 = arith.index_cast %scan3A_198 : i32 to index
      %swap3A_254 = arith.constant 80 : index
      %swap3A_255 = tpu.vector_load %arg11[%swap3A_253, %swap3A_254] {strides = array<i32>} : memref<128x128xf32, #tpu.memory_space<vmem>>, vector<1x16xf32>,
      %swap3A_256 = vector.shape_cast %swap3A_255 : vector<1x16xf32> to vector<16xf32>
      %swap3A_257 = vector.shape_cast %mul3A_252 : vector<16xf32> to vector<1x16xf32>
      tpu.vector_store %arg11[%swap3A_253, %swap3A_254], %swap3A_257 {strides = array<i32>} : memref<128x128xf32, #tpu.memory_space<vmem>>, vector<1x16xf32>,
      %get3A_258 = arith.index_cast %scan3A_198 : i32 to index
      %get3A_259 = arith.constant 96 : index
      %get3A_260 = tpu.vector_load %arg11[%get3A_258, %get3A_259] {strides = array<i32>} : memref<128x128xf32, #tpu.memory_space<vmem>>, vector<1x16xf32>,
      %get3A_261 = vector.shape_cast %get3A_260 : vector<1x16xf32> to vector<16xf32>
      %mul3A_262 = arith.mulf %get3A_261, %get3A_2 : vector<16xf32>
      %swap3A_263 = arith.index_cast %scan3A_198 : i32 to index
      %swap3A_264 = arith.constant 96 : index
      %swap3A_265 = tpu.vector_load %arg11[%swap3A_263, %swap3A_264] {strides = array<i32>} : memref<128x128xf32, #tpu.memory_space<vmem>>, vector<1x16xf32>,
      %swap3A_266 = vector.shape_cast %swap3A_265 : vector<1x16xf32> to vector<16xf32>
      %swap3A_267 = vector.shape_cast %mul3A_262 : vector<16xf32> to vector<1x16xf32>
      tpu.vector_store %arg11[%swap3A_263, %swap3A_264], %swap3A_267 {strides = array<i32>} : memref<128x128xf32, #tpu.memory_space<vmem>>, vector<1x16xf32>,
      %get3A_268 = arith.index_cast %scan3A_198 : i32 to index
      %get3A_269 = arith.constant 112 : index
      %get3A_270 = tpu.vector_load %arg11[%get3A_268, %get3A_269] {strides = array<i32>} : memref<128x128xf32, #tpu.memory_space<vmem>>, vector<1x16xf32>,
      %get3A_271 = vector.shape_cast %get3A_270 : vector<1x16xf32> to vector<16xf32>
      %mul3A_272 = arith.mulf %get3A_271, %get3A_5 : vector<16xf32>
      %swap3A_273 = arith.index_cast %scan3A_198 : i32 to index
      %swap3A_274 = arith.constant 112 : index
      %swap3A_275 = tpu.vector_load %arg11[%swap3A_273, %swap3A_274] {strides = array<i32>} : memref<128x128xf32, #tpu.memory_space<vmem>>, vector<1x16xf32>,
      %swap3A_276 = vector.shape_cast %swap3A_275 : vector<1x16xf32> to vector<16xf32>
      %swap3A_277 = vector.shape_cast %mul3A_272 : vector<16xf32> to vector<1x16xf32>
      tpu.vector_store %arg11[%swap3A_273, %swap3A_274], %swap3A_277 {strides = array<i32>} : memref<128x128xf32, #tpu.memory_space<vmem>>, vector<1x16xf32>,
    }
    %scan3A_145 = arith.constant 128 : i32
    %mul3A_146 = arith.constant 512 : i32
    %mul3A_147 = arith.muli %add3A, %mul3A_146 : i32
    %add3A_148 = arith.constant 256 : i32
    %add3A_149 = arith.addi %mul3A_147, %add3A_148 : i32
    %dma_start3A_150 = arith.constant 0 : i32
    %dma_start3A_151 = tpu.memref_slice %arg5[%add3A_149, %dma_start3A_150] : memref<16384x128xf32, #tpu.memory_space<hbm>> -> memref<128x128xf32, #tpu.memory_space<hbm>>
    %dma_start3A_152 = arith.constant 0 : i32
    %dma_start3A_153 = tpu.memref_slice %arg5[%add3A_149, %dma_start3A_152] : memref<16384x128xf32, #tpu.memory_space<hbm>> -> memref<128x128xf32, #tpu.memory_space<hbm>>
    tpu.enqueue_dma source(%arg11 : memref<128x128xf32, #tpu.memory_space<vmem>>) target(%dma_start3A_153 : memref<128x128xf32, #tpu.memory_space<hbm>>) target_semaphore(%arg16 : memref<!tpu.dma_semaphore, #tpu.memory_space<semaphore_mem>>)
    tpu.wait_dma2 semaphore(%arg14 : memref<!tpu.dma_semaphore, #tpu.memory_space<semaphore_mem>>) src(%arg6 : memref<128x128xi32, #tpu.memory_space<hbm>>) dst(%arg10 : memref<128x128xi32, #tpu.memory_space<vmem>>)
    %scan3A_154 = arith.constant 0 : i32
    %scan3A_155 = arith.constant 0 : i32
    %scan3A_156 = arith.constant 128 : i32
    %scan3A_157 = arith.addi %scan3A_155, %scan3A_156 : i32
    %scan3A_158 = arith.constant 1 : i32
    scf.for %scan3A_198 = %scan3A_155 to %scan3A_157 step %scan3A_158  : i32 {
      %dma_start3A_199 = arith.constant 0 : i32
      %dma_start3A_200 = tpu.memref_slice %arg12[%scan3A_198, %dma_start3A_199] : memref<128x128xf32, #tpu.memory_space<vmem>> -> memref<1x128xf32, #tpu.memory_space<vmem>>
      %dma_start3A_201 = tpu.memref_squeeze %dma_start3A_200 : memref<1x128xf32, #tpu.memory_space<vmem>> -> memref<128xf32, #tpu.memory_space<vmem>>
      %dma_start3A_202 = arith.constant 0 : i32
      %dma_start3A_203 = tpu.memref_slice %arg10[%scan3A_198, %dma_start3A_202] : memref<128x128xi32, #tpu.memory_space<vmem>> -> memref<1x128xi32, #tpu.memory_space<vmem>>
      %dma_start3A_204 = tpu.memref_squeeze %dma_start3A_203 : memref<1x128xi32, #tpu.memory_space<vmem>> -> memref<128xi32, #tpu.memory_space<vmem>>
      %dma_start3A_205 = arith.constant 0 : i32
      %dma_start3A_206 = tpu.memref_slice %arg2[%dma_start3A_205] : memref<1048576xf32, #tpu.memory_space<hbm>> -> memref<1048576xf32, #tpu.memory_space<hbm>>
      tpu.enqueue_indirect_dma source(%dma_start3A_206 : memref<1048576xf32, #tpu.memory_space<hbm>>) target(%dma_start3A_201 : memref<128xf32, #tpu.memory_space<vmem>>) offsets(%dma_start3A_204 : memref<128xi32, #tpu.memory_space<vmem>>) semaphore(%arg15 : memref<!tpu.dma_semaphore, #tpu.memory_space<semaphore_mem>>)
    }
    %scan3A_159 = arith.constant 128 : i32
    %dma_wait3A_160 = arith.constant 0 : i32
    %dma_wait3A_161 = arith.constant 0 : i32
    %dma_wait3A_162 = tpu.memref_slice %arg5[%dma_wait3A_160, %dma_wait3A_161] : memref<16384x128xf32, #tpu.memory_space<hbm>> -> memref<128x128xf32, #tpu.memory_space<hbm>>
    %dma_wait3A_163 = arith.constant 0 : i32
    %dma_wait3A_164 = arith.constant 0 : i32
    %dma_wait3A_165 = tpu.memref_slice %arg5[%dma_wait3A_163, %dma_wait3A_164] : memref<16384x128xf32, #tpu.memory_space<hbm>> -> memref<128x128xf32, #tpu.memory_space<hbm>>
    tpu.wait_dma2 semaphore(%arg15 : memref<!tpu.dma_semaphore, #tpu.memory_space<semaphore_mem>>) src(%dma_wait3A_165 : memref<128x128xf32, #tpu.memory_space<hbm>>) dst(%arg12 : memref<128x128xf32, #tpu.memory_space<vmem>>)
    %dma_wait3A_166 = arith.constant 0 : i32
    %dma_wait3A_167 = arith.constant 0 : i32
    %dma_wait3A_168 = tpu.memref_slice %arg5[%dma_wait3A_166, %dma_wait3A_167] : memref<16384x128xf32, #tpu.memory_space<hbm>> -> memref<128x128xf32, #tpu.memory_space<hbm>>
    %dma_wait3A_169 = arith.constant 0 : i32
    %dma_wait3A_170 = arith.constant 0 : i32
    %dma_wait3A_171 = tpu.memref_slice %arg5[%dma_wait3A_169, %dma_wait3A_170] : memref<16384x128xf32, #tpu.memory_space<hbm>> -> memref<128x128xf32, #tpu.memory_space<hbm>>
    tpu.wait_dma2 semaphore(%arg17 : memref<!tpu.dma_semaphore, #tpu.memory_space<semaphore_mem>>) src(%dma_wait3A_171 : memref<128x128xf32, #tpu.memory_space<hbm>>) dst(%arg12 : memref<128x128xf32, #tpu.memory_space<vmem>>)
    %scan3A_172 = arith.constant 0 : i32
    %scan3A_173 = arith.constant 0 : i32
    %scan3A_174 = arith.constant 128 : i32
    %scan3A_175 = arith.addi %scan3A_173, %scan3A_174 : i32
    %scan3A_176 = arith.constant 1 : i32
    scf.for %scan3A_198 = %scan3A_173 to %scan3A_175 step %scan3A_176  : i32 {
      %get3A_199 = arith.index_cast %scan3A_198 : i32 to index
      %get3A_200 = arith.constant 0 : index
      %get3A_201 = tpu.vector_load %arg12[%get3A_199, %get3A_200] {strides = array<i32>} : memref<128x128xf32, #tpu.memory_space<vmem>>, vector<1x16xf32>,
      %get3A_202 = vector.shape_cast %get3A_201 : vector<1x16xf32> to vector<16xf32>
      %mul3A_203 = arith.mulf %get3A_202, %get3A_2 : vector<16xf32>
      %swap3A = arith.index_cast %scan3A_198 : i32 to index
      %swap3A_204 = arith.constant 0 : index
      %swap3A_205 = tpu.vector_load %arg12[%swap3A, %swap3A_204] {strides = array<i32>} : memref<128x128xf32, #tpu.memory_space<vmem>>, vector<1x16xf32>,
      %swap3A_206 = vector.shape_cast %swap3A_205 : vector<1x16xf32> to vector<16xf32>
      %swap3A_207 = vector.shape_cast %mul3A_203 : vector<16xf32> to vector<1x16xf32>
      tpu.vector_store %arg12[%swap3A, %swap3A_204], %swap3A_207 {strides = array<i32>} : memref<128x128xf32, #tpu.memory_space<vmem>>, vector<1x16xf32>,
      %get3A_208 = arith.index_cast %scan3A_198 : i32 to index
      %get3A_209 = arith.constant 16 : index
      %get3A_210 = tpu.vector_load %arg12[%get3A_208, %get3A_209] {strides = array<i32>} : memref<128x128xf32, #tpu.memory_space<vmem>>, vector<1x16xf32>,
      %get3A_211 = vector.shape_cast %get3A_210 : vector<1x16xf32> to vector<16xf32>
      %mul3A_212 = arith.mulf %get3A_211, %get3A_5 : vector<16xf32>
      %swap3A_213 = arith.index_cast %scan3A_198 : i32 to index
      %swap3A_214 = arith.constant 16 : index
      %swap3A_215 = tpu.vector_load %arg12[%swap3A_213, %swap3A_214] {strides = array<i32>} : memref<128x128xf32, #tpu.memory_space<vmem>>, vector<1x16xf32>,
      %swap3A_216 = vector.shape_cast %swap3A_215 : vector<1x16xf32> to vector<16xf32>
      %swap3A_217 = vector.shape_cast %mul3A_212 : vector<16xf32> to vector<1x16xf32>
      tpu.vector_store %arg12[%swap3A_213, %swap3A_214], %swap3A_217 {strides = array<i32>} : memref<128x128xf32, #tpu.memory_space<vmem>>, vector<1x16xf32>,
      %get3A_218 = arith.index_cast %scan3A_198 : i32 to index
      %get3A_219 = arith.constant 32 : index
      %get3A_220 = tpu.vector_load %arg12[%get3A_218, %get3A_219] {strides = array<i32>} : memref<128x128xf32, #tpu.memory_space<vmem>>, vector<1x16xf32>,
      %get3A_221 = vector.shape_cast %get3A_220 : vector<1x16xf32> to vector<16xf32>
      %mul3A_222 = arith.mulf %get3A_221, %get3A_2 : vector<16xf32>
      %swap3A_223 = arith.index_cast %scan3A_198 : i32 to index
      %swap3A_224 = arith.constant 32 : index
      %swap3A_225 = tpu.vector_load %arg12[%swap3A_223, %swap3A_224] {strides = array<i32>} : memref<128x128xf32, #tpu.memory_space<vmem>>, vector<1x16xf32>,
      %swap3A_226 = vector.shape_cast %swap3A_225 : vector<1x16xf32> to vector<16xf32>
      %swap3A_227 = vector.shape_cast %mul3A_222 : vector<16xf32> to vector<1x16xf32>
      tpu.vector_store %arg12[%swap3A_223, %swap3A_224], %swap3A_227 {strides = array<i32>} : memref<128x128xf32, #tpu.memory_space<vmem>>, vector<1x16xf32>,
      %get3A_228 = arith.index_cast %scan3A_198 : i32 to index
      %get3A_229 = arith.constant 48 : index
      %get3A_230 = tpu.vector_load %arg12[%get3A_228, %get3A_229] {strides = array<i32>} : memref<128x128xf32, #tpu.memory_space<vmem>>, vector<1x16xf32>,
      %get3A_231 = vector.shape_cast %get3A_230 : vector<1x16xf32> to vector<16xf32>
      %mul3A_232 = arith.mulf %get3A_231, %get3A_5 : vector<16xf32>
      %swap3A_233 = arith.index_cast %scan3A_198 : i32 to index
      %swap3A_234 = arith.constant 48 : index
      %swap3A_235 = tpu.vector_load %arg12[%swap3A_233, %swap3A_234] {strides = array<i32>} : memref<128x128xf32, #tpu.memory_space<vmem>>, vector<1x16xf32>,
      %swap3A_236 = vector.shape_cast %swap3A_235 : vector<1x16xf32> to vector<16xf32>
      %swap3A_237 = vector.shape_cast %mul3A_232 : vector<16xf32> to vector<1x16xf32>
      tpu.vector_store %arg12[%swap3A_233, %swap3A_234], %swap3A_237 {strides = array<i32>} : memref<128x128xf32, #tpu.memory_space<vmem>>, vector<1x16xf32>,
      %get3A_238 = arith.index_cast %scan3A_198 : i32 to index
      %get3A_239 = arith.constant 64 : index
      %get3A_240 = tpu.vector_load %arg12[%get3A_238, %get3A_239] {strides = array<i32>} : memref<128x128xf32, #tpu.memory_space<vmem>>, vector<1x16xf32>,
      %get3A_241 = vector.shape_cast %get3A_240 : vector<1x16xf32> to vector<16xf32>
      %mul3A_242 = arith.mulf %get3A_241, %get3A_2 : vector<16xf32>
      %swap3A_243 = arith.index_cast %scan3A_198 : i32 to index
      %swap3A_244 = arith.constant 64 : index
      %swap3A_245 = tpu.vector_load %arg12[%swap3A_243, %swap3A_244] {strides = array<i32>} : memref<128x128xf32, #tpu.memory_space<vmem>>, vector<1x16xf32>,
      %swap3A_246 = vector.shape_cast %swap3A_245 : vector<1x16xf32> to vector<16xf32>
      %swap3A_247 = vector.shape_cast %mul3A_242 : vector<16xf32> to vector<1x16xf32>
      tpu.vector_store %arg12[%swap3A_243, %swap3A_244], %swap3A_247 {strides = array<i32>} : memref<128x128xf32, #tpu.memory_space<vmem>>, vector<1x16xf32>,
      %get3A_248 = arith.index_cast %scan3A_198 : i32 to index
      %get3A_249 = arith.constant 80 : index
      %get3A_250 = tpu.vector_load %arg12[%get3A_248, %get3A_249] {strides = array<i32>} : memref<128x128xf32, #tpu.memory_space<vmem>>, vector<1x16xf32>,
      %get3A_251 = vector.shape_cast %get3A_250 : vector<1x16xf32> to vector<16xf32>
      %mul3A_252 = arith.mulf %get3A_251, %get3A_5 : vector<16xf32>
      %swap3A_253 = arith.index_cast %scan3A_198 : i32 to index
      %swap3A_254 = arith.constant 80 : index
      %swap3A_255 = tpu.vector_load %arg12[%swap3A_253, %swap3A_254] {strides = array<i32>} : memref<128x128xf32, #tpu.memory_space<vmem>>, vector<1x16xf32>,
      %swap3A_256 = vector.shape_cast %swap3A_255 : vector<1x16xf32> to vector<16xf32>
      %swap3A_257 = vector.shape_cast %mul3A_252 : vector<16xf32> to vector<1x16xf32>
      tpu.vector_store %arg12[%swap3A_253, %swap3A_254], %swap3A_257 {strides = array<i32>} : memref<128x128xf32, #tpu.memory_space<vmem>>, vector<1x16xf32>,
      %get3A_258 = arith.index_cast %scan3A_198 : i32 to index
      %get3A_259 = arith.constant 96 : index
      %get3A_260 = tpu.vector_load %arg12[%get3A_258, %get3A_259] {strides = array<i32>} : memref<128x128xf32, #tpu.memory_space<vmem>>, vector<1x16xf32>,
      %get3A_261 = vector.shape_cast %get3A_260 : vector<1x16xf32> to vector<16xf32>
      %mul3A_262 = arith.mulf %get3A_261, %get3A_2 : vector<16xf32>
      %swap3A_263 = arith.index_cast %scan3A_198 : i32 to index
      %swap3A_264 = arith.constant 96 : index
      %swap3A_265 = tpu.vector_load %arg12[%swap3A_263, %swap3A_264] {strides = array<i32>} : memref<128x128xf32, #tpu.memory_space<vmem>>, vector<1x16xf32>,
      %swap3A_266 = vector.shape_cast %swap3A_265 : vector<1x16xf32> to vector<16xf32>
      %swap3A_267 = vector.shape_cast %mul3A_262 : vector<16xf32> to vector<1x16xf32>
      tpu.vector_store %arg12[%swap3A_263, %swap3A_264], %swap3A_267 {strides = array<i32>} : memref<128x128xf32, #tpu.memory_space<vmem>>, vector<1x16xf32>,
      %get3A_268 = arith.index_cast %scan3A_198 : i32 to index
      %get3A_269 = arith.constant 112 : index
      %get3A_270 = tpu.vector_load %arg12[%get3A_268, %get3A_269] {strides = array<i32>} : memref<128x128xf32, #tpu.memory_space<vmem>>, vector<1x16xf32>,
      %get3A_271 = vector.shape_cast %get3A_270 : vector<1x16xf32> to vector<16xf32>
      %mul3A_272 = arith.mulf %get3A_271, %get3A_5 : vector<16xf32>
      %swap3A_273 = arith.index_cast %scan3A_198 : i32 to index
      %swap3A_274 = arith.constant 112 : index
      %swap3A_275 = tpu.vector_load %arg12[%swap3A_273, %swap3A_274] {strides = array<i32>} : memref<128x128xf32, #tpu.memory_space<vmem>>, vector<1x16xf32>,
      %swap3A_276 = vector.shape_cast %swap3A_275 : vector<1x16xf32> to vector<16xf32>
      %swap3A_277 = vector.shape_cast %mul3A_272 : vector<16xf32> to vector<1x16xf32>
      tpu.vector_store %arg12[%swap3A_273, %swap3A_274], %swap3A_277 {strides = array<i32>} : memref<128x128xf32, #tpu.memory_space<vmem>>, vector<1x16xf32>,
    }
    %scan3A_177 = arith.constant 128 : i32
    %mul3A_178 = arith.constant 512 : i32
    %mul3A_179 = arith.muli %add3A, %mul3A_178 : i32
    %add3A_180 = arith.constant 384 : i32
    %add3A_181 = arith.addi %mul3A_179, %add3A_180 : i32
    %dma_start3A_182 = arith.constant 0 : i32
    %dma_start3A_183 = tpu.memref_slice %arg5[%add3A_181, %dma_start3A_182] : memref<16384x128xf32, #tpu.memory_space<hbm>> -> memref<128x128xf32, #tpu.memory_space<hbm>>
    %dma_start3A_184 = arith.constant 0 : i32
    %dma_start3A_185 = tpu.memref_slice %arg5[%add3A_181, %dma_start3A_184] : memref<16384x128xf32, #tpu.memory_space<hbm>> -> memref<128x128xf32, #tpu.memory_space<hbm>>
    tpu.enqueue_dma source(%arg12 : memref<128x128xf32, #tpu.memory_space<vmem>>) target(%dma_start3A_185 : memref<128x128xf32, #tpu.memory_space<hbm>>) target_semaphore(%arg17 : memref<!tpu.dma_semaphore, #tpu.memory_space<semaphore_mem>>)
    %dma_wait3A_186 = arith.constant 0 : i32
    %dma_wait3A_187 = arith.constant 0 : i32
    %dma_wait3A_188 = tpu.memref_slice %arg5[%dma_wait3A_186, %dma_wait3A_187] : memref<16384x128xf32, #tpu.memory_space<hbm>> -> memref<128x128xf32, #tpu.memory_space<hbm>>
    %dma_wait3A_189 = arith.constant 0 : i32
    %dma_wait3A_190 = arith.constant 0 : i32
    %dma_wait3A_191 = tpu.memref_slice %arg5[%dma_wait3A_189, %dma_wait3A_190] : memref<16384x128xf32, #tpu.memory_space<hbm>> -> memref<128x128xf32, #tpu.memory_space<hbm>>
    tpu.wait_dma2 semaphore(%arg16 : memref<!tpu.dma_semaphore, #tpu.memory_space<semaphore_mem>>) src(%dma_wait3A_191 : memref<128x128xf32, #tpu.memory_space<hbm>>) dst(%arg11 : memref<128x128xf32, #tpu.memory_space<vmem>>)
    %dma_wait3A_192 = arith.constant 0 : i32
    %dma_wait3A_193 = arith.constant 0 : i32
    %dma_wait3A_194 = tpu.memref_slice %arg5[%dma_wait3A_192, %dma_wait3A_193] : memref<16384x128xf32, #tpu.memory_space<hbm>> -> memref<128x128xf32, #tpu.memory_space<hbm>>
    %dma_wait3A_195 = arith.constant 0 : i32
    %dma_wait3A_196 = arith.constant 0 : i32
    %dma_wait3A_197 = tpu.memref_slice %arg5[%dma_wait3A_195, %dma_wait3A_196] : memref<16384x128xf32, #tpu.memory_space<hbm>> -> memref<128x128xf32, #tpu.memory_space<hbm>>
    tpu.wait_dma2 semaphore(%arg17 : memref<!tpu.dma_semaphore, #tpu.memory_space<semaphore_mem>>) src(%dma_wait3A_197 : memref<128x128xf32, #tpu.memory_space<hbm>>) dst(%arg12 : memref<128x128xf32, #tpu.memory_space<vmem>>)
    return
  }
}

</mosaic_0001>

<sc_bundles>
// kernel: kernel.3.cloned.1.call-start
scs
__scs_entry_jumppad:
0x0: {  	(pc) =	sbr.rel $0x88, $3  }
0x1: {  	(tag) =	ssettag $0x0;
	lr =	simm.s32 $0x1  }
0x2: {  	[smem:$0x3F9E] =	sst lr;
	_ =	strace $0xD0000000  }
0x3: {  	_ = 	snop  }
0x4: {  	_ = 	snop  }
0x5: {  	_ = 	snop  }
0x6: {  	_ = 	snop  }
0x7: {  	_ = 	snop  }
__scs_overlays_trampoline_lowered:
0x8: {  	[smem:$0x3FAD] =	sst s0  }
0x9: {  	[smem:$0x3FAE] =	sst s1  }
0xa: {  	[smem:$0x3FAF] =	sst s2  }
0xb: {  	[smem:$0x3FB0] =	sst s3  }
0xc: {  	[smem:$0x3FB1] =	sst s4  }
0xd: {  	[smem:$0x3FB2] =	sst s5  }
0xe: {  	[smem:$0x3FB3] =	sst s6  }
0xf: {  	[smem:$0x3FB4] =	sst s7  }
0x10: {  	[smem:$0x3FB5] =	sst s8  }
0x11: {  	[smem:$0x3FB6] =	sst s9;
	s0 =	simm.s32 @!p0 $0x0  }
0x12: {  	s1 =	sld [smem:$0x3F9C];
	s0 =	simm.s32 @p0 $0x1  }
0x13: {  	[smem:$0x3FB7] =	sst s0;
	s0 =	simm.s32 @!p1 $0x0  }
0x14: {  	s2 =	sld [smem:$0x3F9B];
	s0 =	simm.s32 @p1 $0x1  }
0x15: {  	[smem:$0x3FB8] =	sst s0;
	s0 =	simm.s32 @!p2 $0x0  }
0x16: {  	s3 =	sld [smem:$0x3FDB];
	s0 =	simm.s32 @p2 $0x1  }
0x17: {  	s4 =	simm.s32 $0x1BF5;
	[smem:$0x3FBA] =	sst s0  }
0x18: {  	s0 =	sld [smem:$0x3F9D];
	_ =	swait.ge [sflag:s4], $0x0  }
0x19: {  	s7 =	sld [smem:$0x3F9E]  }
0x1a: {  	s8 =	sadd.s32 $0xFFFFE003, lr  }
0x1b: {  	s9 =	sadd.s32 $0xFFFFFEF7, lr;
	s5 =	simm.s32 $0xFFFFFFFF;
	p2 =	slt.u32 s8, $0xFFFFF086  }
0x1c: {  	p1 =	slt.u32 s9, $0xF7A;
	s5 =	simm.s32 @!p2 $0x0  }
0x1d: {  	s5 =	simm.s32 @p1 $0x1;
	p0 =	seq.s32 s7, s2  }
0x1e: {  	s7 =	smul.u32 @!p0 $0xF7A, s2;
	p2 =	seq.s32 @!p0 s5, $0x0  }
0x1f: {  	s9 =	smul.u32 $0xF7A, s1;
	s8 =	simm.s32 @!p0 $0x1BF5;
	p2 =	por !p2, p0  }
0x20: {  	[sflag:s8] =	ssyncset.s32 @!p0 $0xFFFFF086;
	s6 =	sadd.s32 @!p0 s3, s7;
	s7 =	simm.s32 @!p0 $0x108  }
0x21: {  	s3 =	sadd.s32 s3, s9;
	s6 =	sadd.s32 @!p0 $0x88, s6;
	s7 =	simm.s32 @p2 $0x1082  }
0x22: {  	[simem:s7], [sflag:s8] =	dma.local @!p0 [hbm:s6], $0xF7A  }
0x23: {  	s9 =	sor.u32 $0xD0000000, s2;
	s6 =	simm.s32 $0x108;
	_ =	swait.ge @!p0 [sflag:s8], $0x0  }
0x24: {  	s3 =	sadd.s32 $0x88, s3;
	s6 =	simm.s32 @!p1 $0x1082;
	[sflag:s4] =	ssyncset.s32 $0xFFFFF086  }
0x25: {  	[simem:s6], [sflag:s4] =	dma.local [hbm:s3], $0xF7A  }
0x26: {  	[smem:$0x3F9E] =	sst s1;
	(tag) =	ssettag s2;
	_ =	strace s9  }
0x27: {  	s1 =	sld [smem:$0x3FAE]  }
0x28: {  	s2 =	sld [smem:$0x3FAF]  }
0x29: {  	s4 =	sld [smem:$0x3FB1]  }
0x2a: {  	p0 =	seq.s32 s5, $0x0;
	s5 =	sld [smem:$0x3FB2]  }
0x2b: {  	s6 =	sld [smem:$0x3FB3]  }
0x2c: {  	s7 =	sld [smem:$0x3FB4]  }
0x2d: {  	s3 =	simm.s32 $0x108;
	s8 =	sld [smem:$0x3FB5]  }
0x2e: {  	s3 =	simm.s32 @!p0 $0x1082;
	s9 =	sld [smem:$0x3FB6]  }
0x2f: {  	lr =	sadd.s32 s0, s3;
	s0 =	sld [smem:$0x3FAD]  }
0x30: {  	s3 =	sld [smem:$0x3FB0]  }
0x31: {  	[smem:$0x3FB9] =	sst s10  }
0x32: {  	s10 =	sld [smem:$0x3FB7];
	_ =	sdelay $0x3  }
0x33: {  	p0 =	seq.s32 s10, $0x1;
	s10 =	sld [smem:$0x3FB9];
	_ =	sdelay $0x3  }
0x34: {  	[smem:$0x3FB9] =	sst s10  }
0x35: {  	s10 =	sld [smem:$0x3FB8];
	_ =	sdelay $0x3  }
0x36: {  	p1 =	seq.s32 s10, $0x1;
	s10 =	sld [smem:$0x3FB9];
	_ =	sdelay $0x3  }
0x37: {  	[smem:$0x3FB9] =	sst s10  }
0x38: {  	s10 =	sld [smem:$0x3FBA]  }
0x39: {  	_ = 	snop;
	(pc) =	sbr.ind lr, $3  }
0x3a: {  	_ = 	snop  }
0x3b: {  	_ = 	snop  }
0x3c: {  	p2 =	seq.s32 s10, $0x1;
	s10 =	sld [smem:$0x3FB9]  }
0x3d: {  	_ =	shalt  }
0x3e: {  	_ =	shalt  }
0x3f: {  	_ =	shalt  }
0x40: {  	_ =	shalt  }
0x41: {  	_ =	shalt  }
0x42: {  	_ =	shalt  }
0x43: {  	_ =	shalt  }
0x44: {  	_ =	shalt  }
0x45: {  	_ =	shalt  }
0x46: {  	_ =	shalt  }
0x47: {  	_ =	shalt  }
0x48: {  	_ =	shalt  }
0x49: {  	_ =	shalt  }
0x4a: {  	_ =	shalt  }
0x4b: {  	_ =	shalt  }
0x4c: {  	_ =	shalt  }
0x4d: {  	_ =	shalt  }
0x4e: {  	_ =	shalt  }
0x4f: {  	_ =	shalt  }
0x50: {  	_ =	shalt  }
0x51: {  	_ =	shalt  }
0x52: {  	_ =	shalt  }
0x53: {  	_ =	shalt  }
0x54: {  	_ =	shalt  }
0x55: {  	_ =	shalt  }
0x56: {  	_ =	shalt  }
0x57: {  	_ =	shalt  }
0x58: {  	_ =	shalt  }
0x59: {  	_ =	shalt  }
0x5a: {  	_ =	shalt  }
0x5b: {  	_ =	shalt  }
0x5c: {  	_ =	shalt  }
0x5d: {  	_ =	shalt  }
0x5e: {  	_ =	shalt  }
0x5f: {  	_ =	shalt  }
0x60: {  	_ =	shalt  }
0x61: {  	_ =	shalt  }
0x62: {  	_ =	shalt  }
0x63: {  	_ =	shalt  }
0x64: {  	_ =	shalt  }
0x65: {  	_ =	shalt  }
0x66: {  	_ =	shalt  }
0x67: {  	_ =	shalt  }
0x68: {  	_ =	shalt  }
0x69: {  	_ =	shalt  }
0x6a: {  	_ =	shalt  }
0x6b: {  	_ =	shalt  }
0x6c: {  	_ =	shalt  }
0x6d: {  	_ =	shalt  }
0x6e: {  	_ =	shalt  }
0x6f: {  	_ =	shalt  }
0x70: {  	_ =	shalt  }
0x71: {  	_ =	shalt  }
0x72: {  	_ =	shalt  }
0x73: {  	_ =	shalt  }
0x74: {  	_ =	shalt  }
0x75: {  	_ =	shalt  }
0x76: {  	_ =	shalt  }
0x77: {  	_ =	shalt  }
0x78: {  	_ =	shalt  }
0x79: {  	_ =	shalt  }
0x7a: {  	_ =	shalt  }
0x7b: {  	_ =	shalt  }
0x7c: {  	_ =	shalt  }
0x7d: {  	_ =	shalt  }
0x7e: {  	_ =	shalt  }
0x7f: {  	_ =	shalt  }
0x80: {  	_ =	shalt  }
0x81: {  	_ =	shalt  }
0x82: {  	_ =	shalt  }
0x83: {  	_ =	shalt  }
0x84: {  	_ =	shalt  }
0x85: {  	_ =	shalt  }
0x86: {  	_ =	shalt  }
0x87: {  	_ =	shalt  }
.Lfunc_end0:
.L_simem_size_0:
called_computation_lowered:
.L_overlay_start_0:
0x88: {  	s2 =	sld [smem:$0x3FD9]  }
0x89: {  	s3 =	sld [smem:$0x3FFE];
	_ =	sdelay $0x1  }
0x8a: {  	s1 =	srdreg.scid  }
0x8b: {  	s0 =	sand.u32 $0x1, s1  }
0x8c: {  	s17 =	sshll.u32 s0, $0xA;
	s2 =	sadd.s32 s3, s2  }
0x8d: {  	s2 =	sadd.s32 s2, s17  }
0x8e: {  	[smem:$0x3FC5] =	sst s2  }
0x8f: {  	_ = 	snop  }
0x90: {  	s2 =	sld [smem:$0x3FC9]  }
0x91: {  	s18 =	sld [smem:$0x3FC7]  }
0x92: {  	s4 =	sld [smem:$0x3FD0];
	(tm) =	ssettm $0x1  }
0x93: {  	s5 =	sld [smem:$0x3FFB];
	_ =	sdelay $0x3  }
0x94: {  	_ =	strace s5  }
0x95: {  	s5 =	sld [smem:$0x3FFC];
	_ =	sdelay $0x3  }
0x96: {  	_ =	strace s5  }
0x97: {  	s5 =	sld [smem:$0x3FFD];
	_ =	sdelay $0x3  }
0x98: {  	_ =	strace s5  }
0x99: {  	_ =	strace $0x8FFFFFFF  }
0x9a: {  	s19 =	sld [smem:$0x3FDB];
	_ =	sdelay $0x1  }
0x9b: {  	s6 =	simm.s32 $_scs_section_size  }
0x9c: {  	s7 =	simm.s32 $_size__tile_overlayer_lowered;
	s8 =	simm.s32 $_tile_overlayer_lowered  }
0x9d: {  	s22 =	simm.s32 $0x1BFF;
	s21 =	sshll.u32 s8, $0x1;
	s5 =	sadd.s32 s6, s19  }
0x9e: {  	s9 =	simm.s32 $0x0;
	s20 =	sshll.u32 s7, $0x1;
	s7 =	sadd.s32 s21, s5  }
0x9f: {  	[timem:s9], [sflag:s22] =	dma.local [hbm:s7], s20  }
0xa0: {  	_ =	swait.ge [sflag:s22], s20  }
0xa1: {  	s6 =	ssub.s32 $0x0, s20;
	[sflag:s22] =	ssyncset.done $0x0  }
0xa2: {  	[sflag:s22] =	ssyncadd.s32 s6;
	_ =	sdelay $0x1  }
0xa3: {  	s23 =	simm.s32 $0x1B8B  }
0xa4: {  	_ =	swait.ge [sflag:s23], $0x1  }
0xa5: {  	[sflag:s23] =	ssyncset.done $0x0  }
0xa6: {  	s25 =	simm.s32 $0x1B8E;
	s24 =	sld [smem:$0x3FFE];
	[sflag:s23] =	ssyncadd.s32 $0xFFFFFFFF  }
0xa7: {  	s26 =	simm.s32 $execute0_lowered;
	[smem:$0x3FD2] =	sst s25  }
0xa8: {  	s7 =	sshll.u32 s26, $0x1;
	_ =	strace $0x80000046;
	[dreg:$0x1] =	wrdreg $0xFFFFFFFF  }
0xa9: {  	s28 =	simm.s32 $_size_execute0_lowered;
	s5 =	sadd.s32 s5, s7;
	[dreg:$0x0] =	wrdreg $0x0  }
0xaa: {  	s7 =	sshll.u32 s28, $0x1;
	[dreg:$0x2] =	wrdreg s5  }
0xab: {  	[dreg:$0x3] =	wrdreg s7  }
0xac: {  	[dreg:$0x4] =	wrdreg $0xC0  }
0xad: {  	_ =	task [dreg:s9], $0x5FFFF  }
0xae: {  	[dreg:$0x1] =	wrdreg $0xFFFFFFFF  }
0xaf: {  	[dreg:$0x0] =	wrdreg $0x60  }
0xb0: {  	[dreg:$0x2] =	wrdreg s2  }
0xb1: {  	[dreg:$0x3] =	wrdreg s24  }
0xb2: {  	[dreg:$0x4] =	wrdreg s18  }
0xb3: {  	[dreg:$0x5] =	wrdreg s4  }
0xb4: {  	[dreg:$0x6] =	wrdreg $0x9  }
0xb5: {  	_ =	task.clear_ibuf [dreg:s9], $0x7FFFF;
	_ =	strace $0x90000046  }
0xb6: {  	s29 =	simm.s32 $0x9;
	_ =	strace $0x80000048  }
0xb7: {  	_ =	swait.ge [sflag:s29], $0x1  }
0xb8: {  	[sflag:s29] =	ssyncadd.s32 $0xFFFFFFFF  }
0xb9: {  	_ =	strace $0x90000048  }
0xba: {  	_ =	sfence  }
0xbb: {  	s30 =	sld [smem:$0x0];
	_ =	sdelay $0x2  }
0xbc: {  	s31 =	sshll.u32 s1, $0xD;
	s1 =	sshrl.u32 s1, $0x2  }
0xbd: {  	s3 =	sand.u32 $0x4000, s31;
	s1 =	sadd.s32 s1, s30  }
0xbe: {  	s0 =	sor.u32 s3, s0;
	s1 =	sshll.u32 s1, $0x11  }
0xbf: {  	s0 =	sor.u32 s1, s0  }
0xc0: {  	s0 =	sadd.s32 $0x8F2B, s0  }
0xc1: {  	[sflag:s0] =	ssyncadd.remote.s32 $0x1  }
0xc2: {  	_ =	sfence.sel $0xFFFF  }
0xc3: {  	[dreg:$0x0] =	wrdreg $0xFFFFFFFF;
	(pc) =	sbr.abs _section_cstart, $3  }
0xc4: {  	[dreg:$0x1] =	wrdreg $0xFFFFFFFF  }
0xc5: {  	_ =	task.clear_ibuf [dreg:s9], $0x2FFFF;
	_ =	strace $0x9FFFFFFF  }
0xc6: {  	(tm) =	ssettm $0x7FFFFFFF  }
0xc7: {  	_ =	shalt  }
tec
execute0_lowered:
.L_overlay_start_1:
0x0: {  	(tag) =	ssettag $0x1  }
0x1: {  	s1 =	rddreg [dreg:$0x0]  }
0x2: {  	s5 =	rddreg [dreg:$0x1]  }
0x3: {  	s2 =	rddreg [dreg:$0x2]  }
0x4: {  	s6 =	rddreg [dreg:$0x3]  }
0x5: {  	s0 =	rddreg [dreg:$0x4];
	s7 =	srdreg.scid  }
0x6: {  	s4 =	simm.s32 $0x0;
	s3 =	stileid.u32;
	s14 =	simm.s32 $0x80  }
0x7: {  	s15 =	simm.s32 $0x1;
	s16 =	simm.s32 $0x2;
	s17 =	simm.s32 $0x10000  }
0x8: {  	s18 =	simm.s32 $0x14000;
	s19 =	simm.s32 $0x3;
	s20 =	simm.s32 $0x4  }
0x9: {  	s21 =	simm.s32 $0x0;
	s10 =	sand.u32 $0x1, s7;
	[smem:$0x7FF] =	sst s4  }
0xa: {  	s30 =	sshll.u32 s3, $0xE;
	s5 =	sadd.s32 $0x800, s5;
	s8 =	sshll.u32 s10, $0xD  }
0xb: {  	s12 =	sshll.u32 s3, $0xC;
	s9 =	ssub.s32 $0x2, s10;
	s7 =	sor.u32 s8, s30  }
0xc: {  	_ =	strace $0x80000047;
	s31 =	sshrl.u32 s9, $0x1;
	s6 =	sadd.s32 s6, s7  }
0xd: {  	v0 =	vlaneseq.u32;
	s13 =	sshll.u32 s10, $0xB;
	s11 =	ssub.s32 s9, s31;
	s7 =	sadd.s32 $0x800, s6  }
0xe: {  	v0 =	vmul.u32 $0x10000, v0;
	s8 =	sadd.s32 $0x1000, s6;
	s9 =	sadd.s32 $0x1800, s6;
	s10 =	smax.u32 s11, $0x1  }
0xf: {  	s11 =	sor.u32 s13, s12;
	s12 =	simm.s32 $0x18000;
	s13 =	simm.s32 $0x5  }
.LBB2_1:
0x10: {  	[tilespmem:s12], [sflag:$0x5] =	stream.linear.gather [hbm4b:s2+s4], $0x80, $0x38;
	[tilespmem:$0x18080] =	vst v63  }
0x11: {  	_ =	swait.ge [sflag:s13], $0x80  }
0x12: {  	s23 =	sadd.s32 $0x0, s11;
	[sflag:s13] =	ssyncset.done $0x0  }
0x13: {  	s24 =	sadd.s32 $0x100003, s23;
	[sflag:s13] =	ssyncadd.s32 $0xFFFFFF80  }
0x14: {  	s22 =	simm.s32 $0x40;
	s25 =	sadd.s32 $0x100000, s23;
	v3 =	vadd.s32 s24, v0;
	v1 =	vld [tilespmem:$0x18000]  }
0x15: {  	s30 =	sadd.s32 $0x100002, s23;
	v4 =	vadd.s32 s25, v0;
	v2 =	vld [tilespmem:$0x18010];
	[tilespmem:s22+$0x30] =	vst v3  }
0x16: {  	s26 =	sadd.s32 $0x1, s23;
	v5 =	vadd.s32 s30, v0;
	[tilespmem:s22+$0xFFFFFFD0] =	vst v4  }
0x17: {  	s28 =	sadd.s32 $0x100001, s23;
	v3 =	vadd.s32 s26, v0;
	[tilespmem:s22+$0x10] =	vst v5  }
0x18: {  	s29 =	sadd.s32 $0x2, s23;
	v4 =	vadd.s32 s28, v0;
	[tilespmem:s22+$0xFFFFFFE0] =	vst v3  }
0x19: {  	s31 =	sadd.s32 $0x3, s23;
	v3 =	vadd.s32 s29, v0;
	[tilespmem:s22+$0xFFFFFFF0] =	vst v4  }
0x1a: {  	s24 =	simm.s32 $0x8;
	v4 =	vadd.s32 s31, v0;
	[tilespmem:s22+$0x0] =	vst v3;
	v3 =	vor.u32 s23, v0;
	s23 =	sadd.s32 $0x4, s11  }
.LBB2_2:
0x1b: {  	p0 =	sne.s32 s24, $0x1FC;
	v5 =	vor.u32 s23, v0;
	s25 =	sadd.s32 $0x100000, s23;
	s26 =	sadd.s32 $0x100003, s23;
	[tilespmem:s22+$0x20] =	vst v4  }
0x1c: {  	s28 =	sadd.s32 $0x100001, s23;
	v4 =	vadd.s32 s25, v0;
	s25 =	sadd.s32 $0x1, s23;
	v6 =	vadd.s32 s26, v0;
	[tilespmem:s22+$0xFFFFFFC0] =	vst v3;
	s22 =	sadd.s32 $0x80, s22;
	v3 =	vmov v5  }
0x1d: {  	v7 =	vadd.s32 s28, v0;
	s26 =	sadd.s32 $0x100002, s23;
	v5 =	vadd.s32 s25, v0;
	s25 =	sadd.s32 $0x2, s23;
	s23 =	sadd.s32 $0x3, s23;
	[tilespmem:s22+$0x30] =	vst v6  }
.Ltmp0:
0x1e: {  	v8 =	vadd.s32 s26, v0;
	[tilespmem:s22+$0xFFFFFFD0] =	vst v4;
	v6 =	vadd.s32 s25, v0;
	v4 =	vadd.s32 s23, v0;
	(pc) =	sbr.rel @p0 .LBB2_2-.Ltmp0, $4  }
0x1f: {  	[tilespmem:s22+$0xFFFFFFE0] =	vst v5  }
0x20: {  	[tilespmem:s22+$0xFFFFFFF0] =	vst v7  }
0x21: {  	[tilespmem:s22+$0x0] =	vst v6  }
0x22: {  	s23 =	sadd.s32 s24, s11;
	s24 =	sadd.s32 $0x4, s24;
	s25 =	simm.s32 $0x0;
	[tilespmem:s22+$0x10] =	vst v8  }
0x23: {  	s24 =	sadd.s32 $0x100003, s23;
	[tilespmem:s22+$0x20] =	vst v4  }
0x24: {  	s26 =	sadd.s32 $0x100000, s23;
	[tilespmem:s22+$0xFFFFFFC0] =	vst v3;
	s22 =	sadd.s32 $0x80, s22;
	v60 =	vadd.s32 s24, v0  }
0x25: {  	s29 =	sadd.s32 $0x2, s23;
	v3 =	vadd.s32 s26, v0;
	[tilespmem:s22+$0x30] =	vst v60  }
0x26: {  	s31 =	sadd.s32 $0x3, s23;
	v62 =	vadd.s32 s29, v0;
	[tilespmem:s22+$0xFFFFFFD0] =	vst v3  }
0x27: {  	s26 =	sadd.s32 $0x1, s23;
	v63 =	vadd.s32 s31, v0;
	[tilespmem:s22+$0x0] =	vst v62  }
0x28: {  	s28 =	sadd.s32 $0x100001, s23;
	v61 =	vadd.s32 s26, v0;
	[tilespmem:s22+$0x20] =	vst v63  }
0x29: {  	s30 =	sadd.s32 $0x100002, s23;
	v3 =	vadd.s32 s28, v0;
	[tilespmem:s22+$0xFFFFFFE0] =	vst v61  }
0x2a: {  	[tilespmem:s22+$0xFFFFFFF0] =	vst v3;
	v3 =	vadd.s32 s30, v0  }
0x2b: {  	[tilespmem:s22+$0x10] =	vst v3;
	v3 =	vor.u32 s23, v0  }
0x2c: {  	[tilespmem:s22+$0xFFFFFFC0] =	vst v3  }
.LBB2_4:
0x2d: {  	p0 =	sne.s32 s25, $0xFE00  }
.Ltmp1:
0x2e: {  	_ = 	snop;
	(pc) =	sbr.rel @p0 .LBB2_4-.Ltmp1, $4  }
0x2f: {  	_ = 	snop  }
0x30: {  	s22 =	sshra.s32 s25, $0x2  }
0x31: {  	s25 =	sadd.s32 $0x200, s25;
	s23 =	sadd.s32 $0x8000, s22  }
0x32: {  	[tilespmem:s23], [sflag:$0x1] =	stream.indirect.gather [hbm4b:s5+s14], $0x1, s22, s14, $0xb8;
	[tilespmem:$0x18080] =	vst v63  }
0x33: {  	s23 =	sadd.s32 $0x0, s11  }
0x34: {  	s24 =	sadd.s32 $0x100203, s23  }
0x35: {  	s22 =	simm.s32 $0x4040;
	s25 =	sadd.s32 $0x200, s23;
	v3 =	vadd.s32 s24, v0  }
0x36: {  	s30 =	sadd.s32 $0x202, s23;
	v4 =	vadd.s32 s25, v0;
	[tilespmem:s22+$0x30] =	vst v3  }
0x37: {  	s26 =	sadd.s32 $0x100200, s23;
	v5 =	vadd.s32 s30, v0;
	[tilespmem:s22+$0xFFFFFFC0] =	vst v4  }
0x38: {  	s28 =	sadd.s32 $0x201, s23;
	v3 =	vadd.s32 s26, v0;
	[tilespmem:s22+$0x0] =	vst v5  }
0x39: {  	s29 =	sadd.s32 $0x100201, s23;
	v4 =	vadd.s32 s28, v0;
	[tilespmem:s22+$0xFFFFFFD0] =	vst v3  }
0x3a: {  	s31 =	sadd.s32 $0x100202, s23;
	s23 =	sadd.s32 $0x203, s23;
	v3 =	vadd.s32 s29, v0;
	[tilespmem:s22+$0xFFFFFFE0] =	vst v4  }
0x3b: {  	s24 =	simm.s32 $0x8;
	v4 =	vadd.s32 s31, v0;
	[tilespmem:s22+$0xFFFFFFF0] =	vst v3;
	v3 =	vadd.s32 s23, v0;
	s23 =	sadd.s32 $0x4, s11  }
.LBB2_6:
0x3c: {  	p0 =	sne.s32 s24, $0x1FC;
	s25 =	sadd.s32 $0x200, s23;
	s26 =	sadd.s32 $0x100203, s23;
	[tilespmem:s22+$0x10] =	vst v4  }
0x3d: {  	s28 =	sadd.s32 $0x201, s23;
	v4 =	vadd.s32 s25, v0;
	s25 =	sadd.s32 $0x100200, s23;
	v5 =	vadd.s32 s26, v0;
	[tilespmem:s22+$0x20] =	vst v3;
	s22 =	sadd.s32 $0x80, s22  }
0x3e: {  	v6 =	vadd.s32 s28, v0;
	s26 =	sadd.s32 $0x202, s23;
	s28 =	sadd.s32 $0x100202, s23;
	v3 =	vadd.s32 s25, v0;
	s25 =	sadd.s32 $0x100201, s23;
	[tilespmem:s22+$0x30] =	vst v5  }
.Ltmp2:
0x3f: {  	v7 =	vadd.s32 s26, v0;
	s23 =	sadd.s32 $0x203, s23;
	[tilespmem:s22+$0xFFFFFFC0] =	vst v4;
	v5 =	vadd.s32 s25, v0;
	v4 =	vadd.s32 s28, v0;
	(pc) =	sbr.rel @p0 .LBB2_6-.Ltmp2, $4  }
0x40: {  	[tilespmem:s22+$0xFFFFFFD0] =	vst v3;
	v3 =	vadd.s32 s23, v0  }
0x41: {  	[tilespmem:s22+$0xFFFFFFE0] =	vst v6  }
0x42: {  	[tilespmem:s22+$0xFFFFFFF0] =	vst v5  }
0x43: {  	s23 =	sadd.s32 s24, s11;
	s24 =	sadd.s32 $0x4, s24;
	[tilespmem:s22+$0x0] =	vst v7  }
0x44: {  	s24 =	sadd.s32 $0x100203, s23;
	[tilespmem:s22+$0x10] =	vst v4  }
0x45: {  	s25 =	sadd.s32 $0x200, s23;
	[tilespmem:s22+$0x20] =	vst v3;
	s22 =	sadd.s32 $0x80, s22;
	v60 =	vadd.s32 s24, v0  }
0x46: {  	s28 =	sadd.s32 $0x100201, s23;
	v3 =	vadd.s32 s25, v0;
	[tilespmem:s22+$0x30] =	vst v60  }
0x47: {  	s30 =	sadd.s32 $0x100202, s23;
	v62 =	vadd.s32 s28, v0;
	[tilespmem:s22+$0xFFFFFFC0] =	vst v3  }
0x48: {  	s25 =	sadd.s32 $0x100200, s23;
	v63 =	vadd.s32 s30, v0;
	[tilespmem:s22+$0xFFFFFFF0] =	vst v62  }
0x49: {  	s26 =	sadd.s32 $0x201, s23;
	v61 =	vadd.s32 s25, v0;
	[tilespmem:s22+$0x10] =	vst v63  }
0x4a: {  	s29 =	sadd.s32 $0x202, s23;
	v3 =	vadd.s32 s26, v0;
	[tilespmem:s22+$0xFFFFFFD0] =	vst v61  }
0x4b: {  	s31 =	sadd.s32 $0x203, s23;
	[tilespmem:s22+$0xFFFFFFE0] =	vst v3;
	v3 =	vadd.s32 s29, v0  }
0x4c: {  	[tilespmem:s22+$0x0] =	vst v3;
	v3 =	vadd.s32 s31, v0  }
0x4d: {  	[tilespmem:s22+$0x20] =	vst v3  }
0x4e: {  	_ =	swait.ge [sflag:s15], $0x4000  }
0x4f: {  	s23 =	simm.s32 $0x10000;
	[sflag:s15] =	ssyncset.done $0x0  }
0x50: {  	s24 =	simm.s32 $0x8000;
	s22 =	simm.s32 $0x200;
	[sflag:s15] =	ssyncadd.s32 $0xFFFFC000  }
.LBB2_8:
0x51: {  	[tilespmem:s23], [sflag:$0x2] =	stream.indirect.gather [hbm4b:s1+s14], $0x1, s24, s14, $0xb8;
	[tilespmem:$0x18080] =	vst v63  }
0x52: {  	s23 =	smov.u32 s22;
	p0 =	sne.s32 s22, $0xFE00  }
.Ltmp3:
0x53: {  	s22 =	sadd.s32 $0x200, s22;
	(pc) =	sbr.rel @p0 .LBB2_8-.Ltmp3, $3  }
0x54: {  	_ =	sdelay $0x1  }
0x55: {  	s24 =	sshra.s32 s23, $0x2  }
0x56: {  	s23 =	sadd.s32 $0x10000, s24;
	s24 =	sadd.s32 $0x8000, s24  }
0x57: {  	[tilespmem:s23], [sflag:$0x2] =	stream.indirect.gather [hbm4b:s1+s14], $0x1, s24, s14, $0xb8;
	[tilespmem:$0x18080] =	vst v63  }
0x58: {  	s22 =	simm.s32 $0x200;
	s23 =	simm.s32 $0xC000;
	s24 =	simm.s32 $0x4000  }
.LBB2_10:
0x59: {  	[tilespmem:s23], [sflag:$0x1] =	stream.indirect.gather [hbm4b:s5+s14], $0x1, s24, s14, $0xb8;
	[tilespmem:$0x18080] =	vst v63  }
0x5a: {  	s23 =	smov.u32 s22;
	p0 =	sne.s32 s22, $0xFE00  }
.Ltmp4:
0x5b: {  	s22 =	sadd.s32 $0x200, s22;
	(pc) =	sbr.rel @p0 .LBB2_10-.Ltmp4, $3  }
0x5c: {  	_ =	sdelay $0x1  }
0x5d: {  	s24 =	sshra.s32 s23, $0x2  }
0x5e: {  	s23 =	sadd.s32 $0xC000, s24;
	s24 =	sadd.s32 $0x4000, s24  }
0x5f: {  	[tilespmem:s23], [sflag:$0x1] =	stream.indirect.gather [hbm4b:s5+s14], $0x1, s24, s14, $0xb8;
	[tilespmem:$0x18080] =	vst v63  }
0x60: {  	_ =	swait.ge [sflag:s16], $0x4000  }
0x61: {  	[sflag:s16] =	ssyncset.done $0x0  }
0x62: {  	s22 =	simm.s32 $0x0;
	[sflag:s16] =	ssyncadd.s32 $0xFFFFC000  }
0x63: {  	v6 =	vld [tilespmem:s22+$0x10000]  }
0x64: {  	v8 =	vld [tilespmem:s22+$0x10010]  }
0x65: {  	v7 =	vld [tilespmem:s22+$0x10020]  }
0x66: {  	v5 =	vld [tilespmem:s22+$0x10030]  }
0x67: {  	v3 =	vld [tilespmem:s22+$0x10040]  }
0x68: {  	v4 =	vld [tilespmem:s22+$0x10050];
	v9 =	vmul.f32 v6, v1  }
0x69: {  	s23 =	simm.s32 $0x200;
	v8 =	vmul.f32 v8, v2;
	v6 =	vld [tilespmem:s22+$0x10060]  }
.LBB2_12:
0x6a: {  	s24 =	sshra.s32 s23, $0x2;
	p0 =	sne.s32 s23, $0xFE00;
	[tilespmem:s22+$0x10000] =	vst v9;
	v7 =	vmul.f32 v7, v1;
	v9 =	vld [tilespmem:s22+$0x10070]  }
0x6b: {  	v10 =	vld [tilespmem:s24+$0x10000];
	[tilespmem:s22+$0x10010] =	vst v8;
	v5 =	vmul.f32 v5, v2  }
0x6c: {  	v8 =	vld [tilespmem:s24+$0x10010];
	[tilespmem:s22+$0x10020] =	vst v7;
	v3 =	vmul.f32 v3, v1  }
.Ltmp5:
0x6d: {  	v7 =	vld [tilespmem:s24+$0x10020];
	[tilespmem:s22+$0x10030] =	vst v5;
	v4 =	vmul.f32 v4, v2;
	(pc) =	sbr.rel @p0 .LBB2_12-.Ltmp5, $4  }
0x6e: {  	v5 =	vld [tilespmem:s24+$0x10030];
	[tilespmem:s22+$0x10040] =	vst v3;
	v6 =	vmul.f32 v6, v1  }
0x6f: {  	v3 =	vld [tilespmem:s24+$0x10040];
	[tilespmem:s22+$0x10050] =	vst v4;
	v11 =	vmul.f32 v9, v2  }
0x70: {  	v9 =	vmul.f32 v10, v1;
	v4 =	vld [tilespmem:s24+$0x10050];
	[tilespmem:s22+$0x10060] =	vst v6  }
0x71: {  	s23 =	sadd.s32 $0x200, s23;
	v8 =	vmul.f32 v8, v2;
	v6 =	vld [tilespmem:s24+$0x10060];
	[tilespmem:s22+$0x10070] =	vst v11;
	s22 =	smov.u32 s24  }
0x72: {  	[tilespmem:s22+$0x10000] =	vst v9;
	v7 =	vmul.f32 v7, v1;
	v63 =	vld [tilespmem:s22+$0x10070]  }
0x73: {  	[tilespmem:s22+$0x10010] =	vst v8;
	v5 =	vmul.f32 v5, v2  }
0x74: {  	[tilespmem:s22+$0x10020] =	vst v7;
	v3 =	vmul.f32 v3, v1  }
0x75: {  	[tilespmem:s22+$0x10030] =	vst v5;
	v4 =	vmul.f32 v4, v2  }
0x76: {  	[tilespmem:s22+$0x10040] =	vst v3;
	v3 =	vmul.f32 v6, v1  }
0x77: {  	[tilespmem:s22+$0x10050] =	vst v4;
	v4 =	vmul.f32 v63, v2  }
0x78: {  	s25 =	simm.s32 $0x0;
	s23 =	sadd.s32 $0x0, s11;
	[tilespmem:s22+$0x10060] =	vst v3  }
0x79: {  	s24 =	sadd.s32 $0x100403, s23;
	s30 =	sadd.s32 $0x402, s23;
	[tilespmem:s22+$0x10070] =	vst v4;
	s22 =	simm.s32 $0x40  }
0x7a: {  	v3 =	vadd.s32 s24, v0;
	[hbm4b:s6+s25] =	stream.linear.scatter [tilespmem:s17], [sflag:$0x3], $0x4000, $0x38;
	[tilespmem:$0x18080] =	vst v63  }
0x7b: {  	v5 =	vadd.s32 s30, v0;
	s25 =	sadd.s32 $0x400, s23;
	[tilespmem:s22+$0x30] =	vst v3  }
0x7c: {  	s26 =	sadd.s32 $0x100400, s23;
	v4 =	vadd.s32 s25, v0;
	[tilespmem:s22+$0x0] =	vst v5  }
0x7d: {  	s28 =	sadd.s32 $0x401, s23;
	v3 =	vadd.s32 s26, v0;
	[tilespmem:s22+$0xFFFFFFC0] =	vst v4  }
0x7e: {  	s29 =	sadd.s32 $0x100401, s23;
	v4 =	vadd.s32 s28, v0;
	[tilespmem:s22+$0xFFFFFFD0] =	vst v3  }
0x7f: {  	s31 =	sadd.s32 $0x100402, s23;
	s23 =	sadd.s32 $0x403, s23;
	v3 =	vadd.s32 s29, v0;
	[tilespmem:s22+$0xFFFFFFE0] =	vst v4  }
0x80: {  	s24 =	simm.s32 $0x8;
	[tilespmem:s22+$0xFFFFFFF0] =	vst v3;
	v4 =	vadd.s32 s31, v0;
	v3 =	vadd.s32 s23, v0;
	s23 =	sadd.s32 $0x4, s11  }
.LBB2_14:
0x81: {  	p0 =	sne.s32 s24, $0x1FC;
	s25 =	sadd.s32 $0x400, s23;
	s26 =	sadd.s32 $0x100403, s23;
	[tilespmem:s22+$0x10] =	vst v4  }
0x82: {  	s28 =	sadd.s32 $0x401, s23;
	v4 =	vadd.s32 s25, v0;
	s25 =	sadd.s32 $0x100400, s23;
	v5 =	vadd.s32 s26, v0;
	[tilespmem:s22+$0x20] =	vst v3;
	s22 =	sadd.s32 $0x80, s22  }
0x83: {  	v6 =	vadd.s32 s28, v0;
	s26 =	sadd.s32 $0x402, s23;
	s28 =	sadd.s32 $0x100402, s23;
	v3 =	vadd.s32 s25, v0;
	s25 =	sadd.s32 $0x100401, s23;
	[tilespmem:s22+$0x30] =	vst v5  }
.Ltmp6:
0x84: {  	v7 =	vadd.s32 s26, v0;
	s23 =	sadd.s32 $0x403, s23;
	[tilespmem:s22+$0xFFFFFFC0] =	vst v4;
	v5 =	vadd.s32 s25, v0;
	v4 =	vadd.s32 s28, v0;
	(pc) =	sbr.rel @p0 .LBB2_14-.Ltmp6, $4  }
0x85: {  	[tilespmem:s22+$0xFFFFFFD0] =	vst v3;
	v3 =	vadd.s32 s23, v0  }
0x86: {  	[tilespmem:s22+$0xFFFFFFE0] =	vst v6  }
0x87: {  	[tilespmem:s22+$0xFFFFFFF0] =	vst v5  }
0x88: {  	s23 =	sadd.s32 s24, s11;
	s24 =	sadd.s32 $0x4, s24;
	[tilespmem:s22+$0x0] =	vst v7  }
0x89: {  	s24 =	sadd.s32 $0x100403, s23;
	[tilespmem:s22+$0x10] =	vst v4  }
0x8a: {  	s25 =	sadd.s32 $0x400, s23;
	[tilespmem:s22+$0x20] =	vst v3;
	s22 =	sadd.s32 $0x80, s22;
	v60 =	vadd.s32 s24, v0  }
0x8b: {  	s28 =	sadd.s32 $0x100401, s23;
	v3 =	vadd.s32 s25, v0;
	[tilespmem:s22+$0x30] =	vst v60  }
0x8c: {  	s30 =	sadd.s32 $0x100402, s23;
	v62 =	vadd.s32 s28, v0;
	[tilespmem:s22+$0xFFFFFFC0] =	vst v3  }
0x8d: {  	s25 =	sadd.s32 $0x100400, s23;
	v63 =	vadd.s32 s30, v0;
	[tilespmem:s22+$0xFFFFFFF0] =	vst v62  }
0x8e: {  	s26 =	sadd.s32 $0x401, s23;
	v61 =	vadd.s32 s25, v0;
	[tilespmem:s22+$0x10] =	vst v63  }
0x8f: {  	s29 =	sadd.s32 $0x402, s23;
	v3 =	vadd.s32 s26, v0;
	[tilespmem:s22+$0xFFFFFFD0] =	vst v61  }
0x90: {  	s31 =	sadd.s32 $0x403, s23;
	[tilespmem:s22+$0xFFFFFFE0] =	vst v3;
	v3 =	vadd.s32 s29, v0  }
0x91: {  	[tilespmem:s22+$0x0] =	vst v3;
	v3 =	vadd.s32 s31, v0  }
0x92: {  	[tilespmem:s22+$0x20] =	vst v3  }
0x93: {  	_ =	swait.ge [sflag:s15], $0x4000  }
0x94: {  	s23 =	simm.s32 $0x200;
	s24 =	simm.s32 $0x14000;
	[sflag:s15] =	ssyncset.done $0x0  }
0x95: {  	s25 =	simm.s32 $0xC000;
	s22 =	simm.s32 $0x0;
	[sflag:s15] =	ssyncadd.s32 $0xFFFFC000  }
.LBB2_16:
0x96: {  	[tilespmem:s24], [sflag:$0x2] =	stream.indirect.gather [hbm4b:s1+s14], $0x1, s25, s14, $0xb8;
	[tilespmem:$0x18080] =	vst v63  }
0x97: {  	s24 =	smov.u32 s23;
	p0 =	sne.s32 s23, $0xFE00  }
.Ltmp7:
0x98: {  	s23 =	sadd.s32 $0x200, s23;
	(pc) =	sbr.rel @p0 .LBB2_16-.Ltmp7, $3  }
0x99: {  	_ =	sdelay $0x1  }
0x9a: {  	s25 =	sshra.s32 s24, $0x2  }
0x9b: {  	s24 =	sadd.s32 $0x14000, s25;
	s25 =	sadd.s32 $0xC000, s25  }
0x9c: {  	[tilespmem:s24], [sflag:$0x2] =	stream.indirect.gather [hbm4b:s1+s14], $0x1, s25, s14, $0xb8;
	[tilespmem:$0x18080] =	vst v63  }
0x9d: {  	s23 =	simm.s32 $0x200;
	s24 =	simm.s32 $0x8000  }
.LBB2_18:
0x9e: {  	[tilespmem:s24], [sflag:$0x1] =	stream.indirect.gather [hbm4b:s5+s14], $0x1, s22, s14, $0xb8;
	[tilespmem:$0x18080] =	vst v63  }
0x9f: {  	s22 =	smov.u32 s23;
	p0 =	sne.s32 s23, $0xFE00  }
.Ltmp8:
0xa0: {  	s23 =	sadd.s32 $0x200, s23;
	(pc) =	sbr.rel @p0 .LBB2_18-.Ltmp8, $3  }
0xa1: {  	_ =	sdelay $0x1  }
0xa2: {  	s22 =	sshra.s32 s22, $0x2  }
0xa3: {  	s24 =	sadd.s32 $0x8000, s22  }
0xa4: {  	[tilespmem:s24], [sflag:$0x1] =	stream.indirect.gather [hbm4b:s5+s14], $0x1, s22, s14, $0xb8;
	[tilespmem:$0x18080] =	vst v63  }
0xa5: {  	_ =	swait.ge [sflag:s16], $0x4000  }
0xa6: {  	[sflag:s16] =	ssyncset.done $0x0  }
0xa7: {  	s22 =	simm.s32 $0x0;
	[sflag:s16] =	ssyncadd.s32 $0xFFFFC000  }
0xa8: {  	v6 =	vld [tilespmem:s22+$0x14000]  }
0xa9: {  	v8 =	vld [tilespmem:s22+$0x14010]  }
0xaa: {  	v7 =	vld [tilespmem:s22+$0x14020]  }
0xab: {  	v5 =	vld [tilespmem:s22+$0x14030]  }
0xac: {  	v3 =	vld [tilespmem:s22+$0x14040]  }
0xad: {  	v4 =	vld [tilespmem:s22+$0x14050];
	v9 =	vmul.f32 v6, v1  }
0xae: {  	s23 =	simm.s32 $0x200;
	v8 =	vmul.f32 v8, v2;
	v6 =	vld [tilespmem:s22+$0x14060]  }
.LBB2_20:
0xaf: {  	s24 =	sshra.s32 s23, $0x2;
	p0 =	sne.s32 s23, $0xFE00;
	[tilespmem:s22+$0x14000] =	vst v9;
	v7 =	vmul.f32 v7, v1;
	v9 =	vld [tilespmem:s22+$0x14070]  }
0xb0: {  	v10 =	vld [tilespmem:s24+$0x14000];
	[tilespmem:s22+$0x14010] =	vst v8;
	v5 =	vmul.f32 v5, v2  }
0xb1: {  	v8 =	vld [tilespmem:s24+$0x14010];
	[tilespmem:s22+$0x14020] =	vst v7;
	v3 =	vmul.f32 v3, v1  }
.Ltmp9:
0xb2: {  	v7 =	vld [tilespmem:s24+$0x14020];
	[tilespmem:s22+$0x14030] =	vst v5;
	v4 =	vmul.f32 v4, v2;
	(pc) =	sbr.rel @p0 .LBB2_20-.Ltmp9, $4  }
0xb3: {  	v5 =	vld [tilespmem:s24+$0x14030];
	[tilespmem:s22+$0x14040] =	vst v3;
	v6 =	vmul.f32 v6, v1  }
0xb4: {  	v3 =	vld [tilespmem:s24+$0x14040];
	[tilespmem:s22+$0x14050] =	vst v4;
	v11 =	vmul.f32 v9, v2  }
0xb5: {  	v9 =	vmul.f32 v10, v1;
	v4 =	vld [tilespmem:s24+$0x14050];
	[tilespmem:s22+$0x14060] =	vst v6  }
0xb6: {  	s23 =	sadd.s32 $0x200, s23;
	v8 =	vmul.f32 v8, v2;
	v6 =	vld [tilespmem:s24+$0x14060];
	[tilespmem:s22+$0x14070] =	vst v11;
	s22 =	smov.u32 s24  }
0xb7: {  	[tilespmem:s22+$0x14000] =	vst v9;
	v7 =	vmul.f32 v7, v1;
	v63 =	vld [tilespmem:s22+$0x14070]  }
0xb8: {  	[tilespmem:s22+$0x14010] =	vst v8;
	v5 =	vmul.f32 v5, v2  }
0xb9: {  	[tilespmem:s22+$0x14020] =	vst v7;
	v3 =	vmul.f32 v3, v1  }
0xba: {  	[tilespmem:s22+$0x14030] =	vst v5;
	v4 =	vmul.f32 v4, v2  }
0xbb: {  	[tilespmem:s22+$0x14040] =	vst v3;
	v3 =	vmul.f32 v6, v1  }
0xbc: {  	[tilespmem:s22+$0x14050] =	vst v4;
	v4 =	vmul.f32 v63, v2  }
0xbd: {  	s25 =	simm.s32 $0x0;
	s23 =	sadd.s32 $0x0, s11;
	[tilespmem:s22+$0x14060] =	vst v3  }
0xbe: {  	s24 =	sadd.s32 $0x100603, s23;
	s30 =	sadd.s32 $0x602, s23;
	[tilespmem:s22+$0x14070] =	vst v4;
	s22 =	simm.s32 $0x4040  }
0xbf: {  	v3 =	vadd.s32 s24, v0;
	[hbm4b:s7+s25] =	stream.linear.scatter [tilespmem:s18], [sflag:$0x4], $0x4000, $0x38;
	[tilespmem:$0x18080] =	vst v63  }
0xc0: {  	v5 =	vadd.s32 s30, v0;
	s25 =	sadd.s32 $0x600, s23;
	[tilespmem:s22+$0x30] =	vst v3  }
0xc1: {  	s26 =	sadd.s32 $0x100600, s23;
	v4 =	vadd.s32 s25, v0;
	[tilespmem:s22+$0x0] =	vst v5  }
0xc2: {  	s28 =	sadd.s32 $0x601, s23;
	v3 =	vadd.s32 s26, v0;
	[tilespmem:s22+$0xFFFFFFC0] =	vst v4  }
0xc3: {  	s29 =	sadd.s32 $0x100601, s23;
	v4 =	vadd.s32 s28, v0;
	[tilespmem:s22+$0xFFFFFFD0] =	vst v3  }
0xc4: {  	s31 =	sadd.s32 $0x100602, s23;
	s23 =	sadd.s32 $0x603, s23;
	v3 =	vadd.s32 s29, v0;
	[tilespmem:s22+$0xFFFFFFE0] =	vst v4  }
0xc5: {  	s24 =	simm.s32 $0x8;
	[tilespmem:s22+$0xFFFFFFF0] =	vst v3;
	v4 =	vadd.s32 s31, v0;
	v3 =	vadd.s32 s23, v0;
	s23 =	sadd.s32 $0x4, s11  }
.LBB2_22:
0xc6: {  	p0 =	sne.s32 s24, $0x1FC;
	s25 =	sadd.s32 $0x600, s23;
	s26 =	sadd.s32 $0x100603, s23;
	[tilespmem:s22+$0x10] =	vst v4  }
0xc7: {  	s28 =	sadd.s32 $0x601, s23;
	v4 =	vadd.s32 s25, v0;
	s25 =	sadd.s32 $0x100600, s23;
	v5 =	vadd.s32 s26, v0;
	[tilespmem:s22+$0x20] =	vst v3;
	s22 =	sadd.s32 $0x80, s22  }
0xc8: {  	v6 =	vadd.s32 s28, v0;
	s26 =	sadd.s32 $0x602, s23;
	s28 =	sadd.s32 $0x100602, s23;
	v3 =	vadd.s32 s25, v0;
	s25 =	sadd.s32 $0x100601, s23;
	[tilespmem:s22+$0x30] =	vst v5  }
.Ltmp10:
0xc9: {  	v7 =	vadd.s32 s26, v0;
	s23 =	sadd.s32 $0x603, s23;
	[tilespmem:s22+$0xFFFFFFC0] =	vst v4;
	v5 =	vadd.s32 s25, v0;
	v4 =	vadd.s32 s28, v0;
	(pc) =	sbr.rel @p0 .LBB2_22-.Ltmp10, $4  }
0xca: {  	[tilespmem:s22+$0xFFFFFFD0] =	vst v3;
	v3 =	vadd.s32 s23, v0  }
0xcb: {  	[tilespmem:s22+$0xFFFFFFE0] =	vst v6  }
0xcc: {  	[tilespmem:s22+$0xFFFFFFF0] =	vst v5  }
0xcd: {  	s23 =	sadd.s32 s24, s11;
	s24 =	sadd.s32 $0x4, s24;
	[tilespmem:s22+$0x0] =	vst v7  }
0xce: {  	s24 =	sadd.s32 $0x100603, s23;
	[tilespmem:s22+$0x10] =	vst v4  }
0xcf: {  	s25 =	sadd.s32 $0x600, s23;
	[tilespmem:s22+$0x20] =	vst v3;
	s22 =	sadd.s32 $0x80, s22;
	v60 =	vadd.s32 s24, v0  }
0xd0: {  	s28 =	sadd.s32 $0x100601, s23;
	v3 =	vadd.s32 s25, v0;
	[tilespmem:s22+$0x30] =	vst v60  }
0xd1: {  	s30 =	sadd.s32 $0x100602, s23;
	v62 =	vadd.s32 s28, v0;
	[tilespmem:s22+$0xFFFFFFC0] =	vst v3  }
0xd2: {  	s25 =	sadd.s32 $0x100600, s23;
	v63 =	vadd.s32 s30, v0;
	[tilespmem:s22+$0xFFFFFFF0] =	vst v62  }
0xd3: {  	s26 =	sadd.s32 $0x601, s23;
	v61 =	vadd.s32 s25, v0;
	[tilespmem:s22+$0x10] =	vst v63  }
0xd4: {  	s29 =	sadd.s32 $0x602, s23;
	v3 =	vadd.s32 s26, v0;
	[tilespmem:s22+$0xFFFFFFD0] =	vst v61  }
0xd5: {  	s31 =	sadd.s32 $0x603, s23;
	[tilespmem:s22+$0xFFFFFFE0] =	vst v3;
	v3 =	vadd.s32 s29, v0  }
0xd6: {  	[tilespmem:s22+$0x0] =	vst v3;
	v3 =	vadd.s32 s31, v0  }
0xd7: {  	[tilespmem:s22+$0x20] =	vst v3  }
0xd8: {  	_ =	swait.ge [sflag:s15], $0x4000  }
0xd9: {  	s23 =	simm.s32 $0x10000;
	[sflag:s15] =	ssyncset.done $0x0  }
0xda: {  	s24 =	simm.s32 $0x8000;
	s22 =	simm.s32 $0x200;
	[sflag:s15] =	ssyncadd.s32 $0xFFFFC000  }
.LBB2_24:
0xdb: {  	[tilespmem:s23], [sflag:$0x2] =	stream.indirect.gather [hbm4b:s1+s14], $0x1, s24, s14, $0xb8;
	[tilespmem:$0x18080] =	vst v63  }
0xdc: {  	s23 =	smov.u32 s22;
	p0 =	sne.s32 s22, $0xFE00  }
.Ltmp11:
0xdd: {  	s22 =	sadd.s32 $0x200, s22;
	(pc) =	sbr.rel @p0 .LBB2_24-.Ltmp11, $3  }
0xde: {  	_ =	sdelay $0x1  }
0xdf: {  	s24 =	sshra.s32 s23, $0x2  }
0xe0: {  	s23 =	sadd.s32 $0x10000, s24;
	s24 =	sadd.s32 $0x8000, s24  }
0xe1: {  	[tilespmem:s23], [sflag:$0x2] =	stream.indirect.gather [hbm4b:s1+s14], $0x1, s24, s14, $0xb8;
	[tilespmem:$0x18080] =	vst v63  }
0xe2: {  	s22 =	simm.s32 $0x200;
	s23 =	simm.s32 $0xC000;
	s24 =	simm.s32 $0x4000  }
.LBB2_26:
0xe3: {  	[tilespmem:s23], [sflag:$0x1] =	stream.indirect.gather [hbm4b:s5+s14], $0x1, s24, s14, $0xb8;
	[tilespmem:$0x18080] =	vst v63  }
0xe4: {  	s23 =	smov.u32 s22;
	p0 =	sne.s32 s22, $0xFE00  }
.Ltmp12:
0xe5: {  	s22 =	sadd.s32 $0x200, s22;
	(pc) =	sbr.rel @p0 .LBB2_26-.Ltmp12, $3  }
0xe6: {  	_ =	sdelay $0x1  }
0xe7: {  	s24 =	sshra.s32 s23, $0x2  }
0xe8: {  	s23 =	sadd.s32 $0xC000, s24;
	s24 =	sadd.s32 $0x4000, s24  }
0xe9: {  	[tilespmem:s23], [sflag:$0x1] =	stream.indirect.gather [hbm4b:s5+s14], $0x1, s24, s14, $0xb8;
	[tilespmem:$0x18080] =	vst v63  }
0xea: {  	_ =	swait.ge [sflag:s16], $0x4000  }
0xeb: {  	[sflag:s16] =	ssyncset.done $0x0  }
0xec: {  	[sflag:s16] =	ssyncadd.s32 $0xFFFFC000  }
0xed: {  	_ =	swait.ge [sflag:s19], $0x4000  }
0xee: {  	[sflag:s19] =	ssyncset.done $0x0  }
0xef: {  	s22 =	simm.s32 $0x0;
	[sflag:s19] =	ssyncadd.s32 $0xFFFFC000  }
0xf0: {  	v6 =	vld [tilespmem:s22+$0x10000]  }
0xf1: {  	v8 =	vld [tilespmem:s22+$0x10010]  }
0xf2: {  	v7 =	vld [tilespmem:s22+$0x10020]  }
0xf3: {  	v5 =	vld [tilespmem:s22+$0x10030]  }
0xf4: {  	v3 =	vld [tilespmem:s22+$0x10040]  }
0xf5: {  	v4 =	vld [tilespmem:s22+$0x10050];
	v9 =	vmul.f32 v6, v1  }
0xf6: {  	s23 =	simm.s32 $0x200;
	v8 =	vmul.f32 v8, v2;
	v6 =	vld [tilespmem:s22+$0x10060]  }
.LBB2_28:
0xf7: {  	s24 =	sshra.s32 s23, $0x2;
	p0 =	sne.s32 s23, $0xFE00;
	[tilespmem:s22+$0x10000] =	vst v9;
	v7 =	vmul.f32 v7, v1;
	v9 =	vld [tilespmem:s22+$0x10070]  }
0xf8: {  	v10 =	vld [tilespmem:s24+$0x10000];
	[tilespmem:s22+$0x10010] =	vst v8;
	v5 =	vmul.f32 v5, v2  }
0xf9: {  	v8 =	vld [tilespmem:s24+$0x10010];
	[tilespmem:s22+$0x10020] =	vst v7;
	v3 =	vmul.f32 v3, v1  }
.Ltmp13:
0xfa: {  	v7 =	vld [tilespmem:s24+$0x10020];
	[tilespmem:s22+$0x10030] =	vst v5;
	v4 =	vmul.f32 v4, v2;
	(pc) =	sbr.rel @p0 .LBB2_28-.Ltmp13, $4  }
0xfb: {  	v5 =	vld [tilespmem:s24+$0x10030];
	[tilespmem:s22+$0x10040] =	vst v3;
	v6 =	vmul.f32 v6, v1  }
0xfc: {  	v3 =	vld [tilespmem:s24+$0x10040];
	[tilespmem:s22+$0x10050] =	vst v4;
	v11 =	vmul.f32 v9, v2  }
0xfd: {  	v9 =	vmul.f32 v10, v1;
	v4 =	vld [tilespmem:s24+$0x10050];
	[tilespmem:s22+$0x10060] =	vst v6  }
0xfe: {  	s23 =	sadd.s32 $0x200, s23;
	v8 =	vmul.f32 v8, v2;
	v6 =	vld [tilespmem:s24+$0x10060];
	[tilespmem:s22+$0x10070] =	vst v11;
	s22 =	smov.u32 s24  }
0xff: {  	[tilespmem:s22+$0x10000] =	vst v9;
	v7 =	vmul.f32 v7, v1;
	v62 =	vld [tilespmem:s22+$0x10070]  }
0x100: {  	[tilespmem:s22+$0x10010] =	vst v8;
	v5 =	vmul.f32 v5, v2  }
0x101: {  	[tilespmem:s22+$0x10020] =	vst v7;
	v3 =	vmul.f32 v3, v1  }
0x102: {  	[tilespmem:s22+$0x10030] =	vst v5;
	v4 =	vmul.f32 v4, v2  }
0x103: {  	[tilespmem:s22+$0x10040] =	vst v3;
	v3 =	vmul.f32 v6, v1  }
0x104: {  	[tilespmem:s22+$0x10050] =	vst v4;
	v63 =	vmul.f32 v62, v2  }
0x105: {  	[tilespmem:s22+$0x10060] =	vst v3  }
0x106: {  	s31 =	simm.s32 $0x0;
	[tilespmem:s22+$0x10070] =	vst v63  }
0x107: {  	[hbm4b:s8+s31] =	stream.linear.scatter [tilespmem:s17], [sflag:$0x3], $0x4000, $0x38;
	[tilespmem:$0x18080] =	vst v63  }
0x108: {  	_ =	swait.ge [sflag:s15], $0x4000  }
0x109: {  	s23 =	simm.s32 $0x14000;
	[sflag:s15] =	ssyncset.done $0x0  }
0x10a: {  	s24 =	simm.s32 $0xC000;
	s22 =	simm.s32 $0x200;
	[sflag:s15] =	ssyncadd.s32 $0xFFFFC000  }
.LBB2_30:
0x10b: {  	[tilespmem:s23], [sflag:$0x2] =	stream.indirect.gather [hbm4b:s1+s14], $0x1, s24, s14, $0xb8;
	[tilespmem:$0x18080] =	vst v63  }
0x10c: {  	s23 =	smov.u32 s22;
	p0 =	sne.s32 s22, $0xFE00  }
.Ltmp14:
0x10d: {  	s22 =	sadd.s32 $0x200, s22;
	(pc) =	sbr.rel @p0 .LBB2_30-.Ltmp14, $3  }
0x10e: {  	_ =	sdelay $0x1  }
0x10f: {  	s24 =	sshra.s32 s23, $0x2  }
0x110: {  	s23 =	sadd.s32 $0x14000, s24;
	s24 =	sadd.s32 $0xC000, s24  }
0x111: {  	[tilespmem:s23], [sflag:$0x2] =	stream.indirect.gather [hbm4b:s1+s14], $0x1, s24, s14, $0xb8;
	[tilespmem:$0x18080] =	vst v63  }
0x112: {  	_ =	swait.ge [sflag:s16], $0x4000  }
0x113: {  	[sflag:s16] =	ssyncset.done $0x0  }
0x114: {  	[sflag:s16] =	ssyncadd.s32 $0xFFFFC000  }
0x115: {  	_ =	swait.ge [sflag:s20], $0x4000  }
0x116: {  	[sflag:s20] =	ssyncset.done $0x0  }
0x117: {  	s22 =	simm.s32 $0x0;
	[sflag:s20] =	ssyncadd.s32 $0xFFFFC000  }
0x118: {  	v6 =	vld [tilespmem:s22+$0x14000]  }
0x119: {  	v8 =	vld [tilespmem:s22+$0x14010]  }
0x11a: {  	v7 =	vld [tilespmem:s22+$0x14020]  }
0x11b: {  	v5 =	vld [tilespmem:s22+$0x14030]  }
0x11c: {  	v3 =	vld [tilespmem:s22+$0x14040]  }
0x11d: {  	v4 =	vld [tilespmem:s22+$0x14050];
	v9 =	vmul.f32 v6, v1  }
0x11e: {  	s23 =	simm.s32 $0x200;
	v8 =	vmul.f32 v8, v2;
	v6 =	vld [tilespmem:s22+$0x14060]  }
.LBB2_32:
0x11f: {  	s24 =	sshra.s32 s23, $0x2;
	p0 =	sne.s32 s23, $0xFE00;
	[tilespmem:s22+$0x14000] =	vst v9;
	v7 =	vmul.f32 v7, v1;
	v9 =	vld [tilespmem:s22+$0x14070]  }
0x120: {  	v10 =	vld [tilespmem:s24+$0x14000];
	[tilespmem:s22+$0x14010] =	vst v8;
	v5 =	vmul.f32 v5, v2  }
0x121: {  	v8 =	vld [tilespmem:s24+$0x14010];
	[tilespmem:s22+$0x14020] =	vst v7;
	v3 =	vmul.f32 v3, v1  }
.Ltmp15:
0x122: {  	v7 =	vld [tilespmem:s24+$0x14020];
	[tilespmem:s22+$0x14030] =	vst v5;
	v4 =	vmul.f32 v4, v2;
	(pc) =	sbr.rel @p0 .LBB2_32-.Ltmp15, $4  }
0x123: {  	v5 =	vld [tilespmem:s24+$0x14030];
	[tilespmem:s22+$0x14040] =	vst v3;
	v6 =	vmul.f32 v6, v1  }
0x124: {  	v3 =	vld [tilespmem:s24+$0x14040];
	[tilespmem:s22+$0x14050] =	vst v4;
	v11 =	vmul.f32 v9, v2  }
0x125: {  	v9 =	vmul.f32 v10, v1;
	v4 =	vld [tilespmem:s24+$0x14050];
	[tilespmem:s22+$0x14060] =	vst v6  }
0x126: {  	s23 =	sadd.s32 $0x200, s23;
	v8 =	vmul.f32 v8, v2;
	v6 =	vld [tilespmem:s24+$0x14060];
	[tilespmem:s22+$0x14070] =	vst v11;
	s22 =	smov.u32 s24  }
0x127: {  	[tilespmem:s22+$0x14000] =	vst v9;
	v7 =	vmul.f32 v7, v1;
	v63 =	vld [tilespmem:s22+$0x14070]  }
0x128: {  	[tilespmem:s22+$0x14010] =	vst v8;
	v5 =	vmul.f32 v5, v2  }
0x129: {  	[tilespmem:s22+$0x14020] =	vst v7;
	v3 =	vmul.f32 v3, v1  }
0x12a: {  	[tilespmem:s22+$0x14030] =	vst v5;
	v4 =	vmul.f32 v4, v2  }
0x12b: {  	[tilespmem:s22+$0x14040] =	vst v3;
	v1 =	vmul.f32 v6, v1  }
0x12c: {  	[tilespmem:s22+$0x14050] =	vst v4;
	v2 =	vmul.f32 v63, v2  }
0x12d: {  	[tilespmem:s22+$0x14060] =	vst v1  }
0x12e: {  	s21 =	sadd.s32 $0x1, s21;
	[tilespmem:s22+$0x14070] =	vst v2  }
0x12f: {  	[hbm4b:s9+s4] =	stream.linear.scatter [tilespmem:s18], [sflag:$0x4], $0x4000, $0x38;
	[tilespmem:$0x18080] =	vst v63  }
0x130: {  	p0 =	sne.s32 s21, s10;
	_ =	swait.ge [sflag:s19], $0x4000  }
.Ltmp16:
0x131: {  	[sflag:s19] =	ssyncset.done $0x0;
	(pc) =	sbr.rel @p0 .LBB2_1-.Ltmp16, $4  }
0x132: {  	[sflag:s19] =	ssyncadd.s32 $0xFFFFC000  }
0x133: {  	_ =	swait.ge [sflag:s20], $0x4000  }
0x134: {  	[sflag:s20] =	ssyncset.done $0x0  }
0x135: {  	[sflag:s20] =	ssyncadd.s32 $0xFFFFC000  }
0x136: {  	_ =	sfence.sel $0x180000  }
0x137: {  	[bflag:$0x0] =	sbarrier.arrive $0xFFFF  }
0x138: {  	p0 =	sne.s32 s3, $0x0;
	_ =	strace $0x90000047  }
0x139: {  	s0 =	sadd.s32 @!p0 $0x100000, s0;
	[bflag:$0x2] =	sbarrier.arrive $0xFFFF  }
0x13a: {  	[sflag:s0] =	ssyncadd.tile.s32 @!p0 $0x1;
	_ =	shalt  }
.Lfunc_end2:
_tile_overlayer_lowered:
.L_overlay_start_2:
0x13b: {  	(tag) =	ssettag $0x2  }
0x13c: {  	s0 =	rddreg [dreg:$0x0];
	s2 =	stileid.u32  }
0x13d: {  	s1 =	rddreg [dreg:$0x1];
	p0 =	sne.s32 s2, $0x0  }
0x13e: {  	s3 =	rddreg [dreg:$0x2];
	[bflag:$0x3] =	sbarrier.arrive $0xFFFF;
	s2 =	simm.s32 @!p0 $0x1C05  }
0x13f: {  	[timem:s3], [sflag:s2] =	dma.local @!p0 [hbm:s0], s1  }
0x140: {  	s0 =	simm.s32 @!p0 $0x5  }
0x141: {  	_ =	swait.ge @!p0 [sflag:s0], s1  }
0x142: {  	s1 =	ssub.s32 @!p0 $0x0, s1;
	[sflag:s0] =	ssyncset.done @!p0 $0x0  }
0x143: {  	[sflag:s0] =	ssyncadd.s32 @!p0 s1  }
0x144: {  	[bflag:$0x3] =	sbarrier.arrive $0xFFFF  }
0x145: {  	_ =	shalt  }

</sc_bundles>
